<compile_context>
chip_gen: v7x
topology: tpu7x:2x2x1
jax: 0.10.2.dev20260603
libtpu: 0.0.44.dev20260713+nightly
codegen_flags: <defaults>
</compile_context>

<pallas_src>
import functools

import jax
import jax.numpy as jnp
from jax import lax
from jax.experimental import pallas as pl
from jax.experimental.pallas import tpu as pltpu
from jax.experimental.pallas import tpu_sc as plsc

N = 10000
E = 320000
C = 128
H = 128

NC = 2
NS = 16
NT = NC * NS
K = 128
NCH = 79
EPAD = NT * NCH * K
NPAD = 10240
PAD_DST = 10016
DEGW = 128
RPT = NPAD // NS
NBUF = 2
WCH = 16
NW = NCH // WCH
DDEPTH = 8

_ROWS = 1000

_mesh = plsc.VectorSubcoreMesh(core_axis_name="c", subcore_axis_name="s")


def _deg_body(dst_hbm, const_hbm, out_hbm, dstv, onesv, zv, deg_sh, zsem,
              dsem):
    c = lax.axis_index("c")
    s = lax.axis_index("s")
    wid = c * NS + s

    pltpu.sync_copy(const_hbm.at[pl.ds(0, K)], onesv)
    pltpu.sync_copy(const_hbm.at[pl.ds(K, 64)], zv)

    nz = RPT // 64
    for t in range(nz):
        pltpu.async_copy(zv, deg_sh.at[pl.ds(s * RPT + t * 64, 64)], zsem)
    pltpu.sync_copy(dst_hbm.at[wid], dstv)
    for t in range(nz):
        pltpu.make_async_copy(zv, deg_sh.at[pl.ds(s * RPT + t * 64, 64)],
                              zsem).wait()
    plsc.subcore_barrier()

    for b in range(DDEPTH):
        pltpu.async_copy(onesv, deg_sh.at[dstv.at[b]], dsem, add=True)

    def chunk(j, _):
        pltpu.make_async_copy(onesv, deg_sh.at[dstv.at[j]], dsem).wait()
        pltpu.async_copy(onesv, deg_sh.at[dstv.at[j + DDEPTH]], dsem,
                         add=True)
        return 0

    lax.fori_loop(0, NCH - DDEPTH, chunk, 0)

    def drain(j, _):
        pltpu.make_async_copy(onesv, deg_sh.at[dstv.at[j]], dsem).wait()
        return 0

    lax.fori_loop(0, DDEPTH, drain, 0)
    plsc.subcore_barrier()
    pltpu.sync_copy(deg_sh.at[pl.ds(s * RPT, RPT)],
                    out_hbm.at[c, pl.ds(s * RPT, RPT)])


_sc_deg = functools.partial(
    pl.kernel,
    _deg_body,
    out_type=jax.ShapeDtypeStruct((NC, NPAD, DEGW), jnp.float32),
    mesh=_mesh,
    scratch_types=[
        pltpu.VMEM((NCH, K), jnp.int32),
        pltpu.VMEM((K, DEGW), jnp.float32),
        pltpu.VMEM((64, DEGW), jnp.float32),
        pltpu.VMEM_SHARED((NPAD, DEGW), jnp.float32),
        pltpu.SemaphoreType.DMA,
        pltpu.SemaphoreType.DMA,
    ],
)()


def _scatter_body(hs_hbm, src_hbm, dst_hbm, out_hbm, srcv, dstv, rows, zrows,
                  acc_sh):
    c = lax.axis_index("c")
    s = lax.axis_index("s")
    wid = c * NS + s

    def fill(i, _):
        def fill_row(k2, _2):
            zrows[i, pl.ds(k2 * 16, 16)] = jnp.zeros((16,), jnp.float32)
            return 0

        lax.fori_loop(0, C // 16, fill_row, 0)
        return 0

    lax.fori_loop(0, 16, fill, 0)

    def zero(t, _):
        pltpu.sync_copy(zrows, acc_sh.at[pl.ds(s * RPT + t * 16, 16)])
        return 0

    lax.fori_loop(0, RPT // 16, zero, 0)
    plsc.subcore_barrier()

    pltpu.sync_copy(src_hbm.at[wid], srcv)
    pltpu.sync_copy(dst_hbm.at[wid], dstv)

    def chunk(j, _):
        pltpu.sync_copy(hs_hbm.at[srcv.at[j]], rows)
        pltpu.sync_copy(rows, acc_sh.at[dstv.at[j]], add=True)
        return 0

    lax.fori_loop(0, NCH, chunk, 0)
    plsc.subcore_barrier()
    pltpu.sync_copy(acc_sh.at[pl.ds(s * RPT, RPT)],
                    out_hbm.at[c, pl.ds(s * RPT, RPT)])


_sc_scatter = functools.partial(
    pl.kernel,
    _scatter_body,
    out_type=jax.ShapeDtypeStruct((NC, NPAD, C), jnp.float32),
    mesh=_mesh,
    scratch_types=[
        pltpu.VMEM((NCH, K), jnp.int32),
        pltpu.VMEM((NCH, K), jnp.int32),
        pltpu.VMEM((K, C), jnp.float32),
        pltpu.VMEM((16, C), jnp.float32),
        pltpu.VMEM_SHARED((NPAD, C), jnp.float32),
    ],
)()


def _pre_body(x_ref, w_ref, deg_ref, hs_ref, dinv_ref):
    db = deg_ref[...]
    d = db[0, :, 0:1] + db[1, :, 0:1] + 1.0
    dinv = 1.0 / jnp.sqrt(d)
    hs_ref[...] = jnp.dot(x_ref[...], w_ref[...],
                          preferred_element_type=jnp.float32) * dinv
    dinv_ref[...] = dinv


def _tc_pre(x, conv_w, deg2):
    return pl.pallas_call(
        _pre_body,
        grid=(N // _ROWS,),
        in_specs=[
            pl.BlockSpec((_ROWS, C), lambda i: (i, 0)),
            pl.BlockSpec((C, C), lambda i: (0, 0)),
            pl.BlockSpec((NC, _ROWS, DEGW), lambda i: (0, i, 0)),
        ],
        out_specs=[
            pl.BlockSpec((_ROWS, C), lambda i: (i, 0)),
            pl.BlockSpec((_ROWS, 1), lambda i: (i, 0)),
        ],
        out_shape=[
            jax.ShapeDtypeStruct((N, C), jnp.float32),
            jax.ShapeDtypeStruct((N, 1), jnp.float32),
        ],
    )(x, conv_w, deg2)


def _post_body(acc_ref, hs_ref, dinv_ref, x_ref, cb_ref, w1r, b1r, w2r, b2r,
               w3r, b3r, out):
    ab = acc_ref[...]
    pre = dinv_ref[...] * (ab[0] + ab[1] + hs_ref[...]) + cb_ref[...]
    o = jnp.maximum(pre, 0.0) + x_ref[...]
    h = jnp.dot(o, w1r[...], preferred_element_type=jnp.float32) + b1r[...]
    h = jnp.where(h >= 0, h, 0.01 * h)
    h = jnp.dot(h, w2r[...], preferred_element_type=jnp.float32) + b2r[...]
    h = jnp.where(h >= 0, h, 0.01 * h)
    a = jnp.dot(h, w3r[...], preferred_element_type=jnp.float32) + b3r[...]
    out[...] = jax.nn.softplus(a)


def _tc_post(acc2, hs, dinv, x, conv_b, w1, b1, w2, b2, w3, b3):
    full = lambda shape: pl.BlockSpec(shape, lambda i: tuple(0 for _ in shape))
    return pl.pallas_call(
        _post_body,
        grid=(N // _ROWS,),
        in_specs=[
            pl.BlockSpec((NC, _ROWS, C), lambda i: (0, i, 0)),
            pl.BlockSpec((_ROWS, C), lambda i: (i, 0)),
            pl.BlockSpec((_ROWS, 1), lambda i: (i, 0)),
            pl.BlockSpec((_ROWS, C), lambda i: (i, 0)),
            full((1, C)),
            full((C, H)),
            full((1, H)),
            full((H, H)),
            full((1, H)),
            full((H, 1)),
            full((1, 1)),
        ],
        out_specs=pl.BlockSpec((_ROWS, 1), lambda i: (i, 0)),
        out_shape=jax.ShapeDtypeStruct((N, 1), jnp.float32),
    )(acc2, hs, dinv, x, conv_b.reshape(1, C), w1, b1.reshape(1, H), w2,
      b2.reshape(1, H), w3, b3.reshape(1, 1))


def kernel(x, edge_index, conv_w, conv_b, w1, b1, w2, b2, w3, b3):
    src = edge_index[0]
    dst = edge_index[1]
    pad = EPAD - E
    srcp = jnp.concatenate([src, jnp.zeros((pad,), jnp.int32)])
    dstp = jnp.concatenate([dst, jnp.full((pad,), PAD_DST, jnp.int32)])
    srcp = srcp.reshape(NT, NCH, K)
    dstp = dstp.reshape(NT, NCH, K)

    deg_const = jnp.concatenate([jnp.ones((K, DEGW), jnp.float32),
                                 jnp.zeros((64, DEGW), jnp.float32)])
    deg2 = _sc_deg(dstp, deg_const)
    hs, dinv = _tc_pre(x, conv_w, deg2)
    acc2 = _sc_scatter(hs, srcp, dstp)
    conc = _tc_post(acc2, hs, dinv, x, conv_b, w1, b1, w2, b2, w3, b3)

    alpha = conc.reshape(1, N) + 1e-20
    g = jax.random.gamma(jax.random.key(42), alpha)
    action = g / jnp.sum(g, axis=-1, keepdims=True)
    log_prob = (jnp.sum((alpha - 1.0) * jnp.log(action), axis=-1)
                + jax.lax.lgamma(jnp.sum(alpha, axis=-1))
                - jnp.sum(jax.lax.lgamma(alpha), axis=-1))
    action = jnp.squeeze(action, 0)[:, None]
    return (action, log_prob)

# --- scband reference (transcript-rebuilt; emitter-appended) ---
"""Pipeline reference for scband-gnnactor-34651796144179 (READ-ONLY COPY).

The authoritative reference and input builder live on the scoring server;
editing this copy changes nothing except your own understanding.
"""

import jax, jax.numpy as jnp
import numpy as np

N = 10000
E = 320000
C = 128
H = 128
ACT = 10000


def setup_inputs(seed: int = 0) -> dict:
    key = jax.random.key(seed)
    ks = jax.random.split(key, 12)
    x = jax.random.normal(ks[0], (N, C), dtype=jnp.float32)
    edge_index = jax.random.randint(ks[1], (2, E), 0, N, dtype=jnp.int32)
    s = 1.0 / np.sqrt(C)
    conv_w = jax.random.uniform(ks[2], (C, C), jnp.float32, -s, s)
    conv_b = jax.random.uniform(ks[3], (C,), jnp.float32, -s, s)
    w1 = jax.random.uniform(ks[4], (C, H), jnp.float32, -s, s)
    b1 = jax.random.uniform(ks[5], (H,), jnp.float32, -s, s)
    sh = 1.0 / np.sqrt(H)
    w2 = jax.random.uniform(ks[6], (H, H), jnp.float32, -sh, sh)
    b2 = jax.random.uniform(ks[7], (H,), jnp.float32, -sh, sh)
    w3 = jax.random.uniform(ks[8], (H, 1), jnp.float32, -sh, sh)
    b3 = jax.random.uniform(ks[9], (1,), jnp.float32, -sh, sh)
    return {"x": x, "edge_index": edge_index, "conv_w": conv_w, "conv_b": conv_b,
            "w1": w1, "b1": b1, "w2": w2, "b2": b2, "w3": w3, "b3": b3}


def _gcn_conv(x, edge_index, w, b):
    # GCNConv with symmetric normalization and self-loops (PyG semantics)
    src = edge_index[0]
    dst = edge_index[1]
    loop = jnp.arange(N, dtype=edge_index.dtype)
    src = jnp.concatenate([src, loop])
    dst = jnp.concatenate([dst, loop])
    deg = jnp.zeros((N,), x.dtype).at[dst].add(1.0)
    dinv = 1.0 / jnp.sqrt(deg)  # deg >= 1 due to self loops
    norm = dinv[src] * dinv[dst]
    h = x @ w
    msg = h[src] * norm[:, None]
    out = jnp.zeros((N, w.shape[1]), x.dtype).at[dst].add(msg)
    return out + b


def _dirichlet_sample_logprob(alpha):
    # reparameterized Dirichlet sample via gamma (rsample) + log_prob
    g = jax.random.gamma(jax.random.key(42), alpha)
    action = g / jnp.sum(g, axis=-1, keepdims=True)
    log_prob = (jnp.sum((alpha - 1.0) * jnp.log(action), axis=-1)
                + jax.lax.lgamma(jnp.sum(alpha, axis=-1))
                - jnp.sum(jax.lax.lgamma(alpha), axis=-1))
    return action, log_prob


def reference(x, edge_index, conv_w, conv_b, w1, b1, w2, b2, w3, b3):
    out = jax.nn.relu(_gcn_conv(x, edge_index, conv_w, conv_b))
    h = out + x
    h = h.reshape(-1, ACT, C)  # (1, ACT, C)
    h = jax.nn.leaky_relu(h @ w1 + b1, negative_slope=0.01)
    h = jax.nn.leaky_relu(h @ w2 + b2, negative_slope=0.01)
    h = jax.nn.softplus(h @ w3 + b3)
    concentration = jnp.squeeze(h, -1)  # (1, ACT)
    alpha = concentration + 1e-20
    action, log_prob = _dirichlet_sample_logprob(alpha)
    action = jnp.squeeze(action, 0)[:, None]  # (ACT, 1)
    return (action, log_prob)

if __name__ == "__main__":
    import jax
    _d = setup_inputs()
    print(jax.jit(kernel)(*tuple(_d.values())))

</pallas_src>

<mosaic_0001>
#map = affine_map<(d0, d1) -> (0, 0, 0)>
#map1 = affine_map<(d0, d1) -> (0, 0)>
module attributes {stable_mosaic.version = 14 : i64} {
  func.func @_deg_body(%arg0: i32, %arg1: i32, %arg2: memref<32x79x128xi32, #tpu.memory_space<hbm>>, %arg3: memref<192x128xf32, #tpu.memory_space<hbm>>, %arg4: memref<2x10240x128xf32, #tpu.memory_space<hbm>>, %arg5: memref<79x128xi32, #tpu.memory_space<vmem>>, %arg6: memref<128x128xf32, #tpu.memory_space<vmem>>, %arg7: memref<64x128xf32, #tpu.memory_space<vmem>>, %arg8: memref<10240x128xf32, #tpu.memory_space<vmem_shared>>, %arg9: memref<!tpu.dma_semaphore, #tpu.memory_space<semaphore_mem>>, %arg10: memref<!tpu.dma_semaphore, #tpu.memory_space<semaphore_mem>>) attributes {dimension_semantics = [#tpu.dimension_semantics<core_parallel>, #tpu.dimension_semantics<subcore_parallel>], iteration_bounds = array<i64: 2, 16>, scalar_prefetch = 0 : i64, scratch_operands = 6 : i64, tpu.core_type = #tpu.core_type<sc_vector_subcore>, window_params = [{transform_indices = #map}, {transform_indices = #map1}, {transform_indices = #map}]} {
    %mul3A = arith.constant 16 : i32
    %mul3A_0 = arith.muli %arg0, %mul3A : i32
    %add3A = arith.addi %mul3A_0, %arg1 : i32
    "tpu.region"() ({
      %run_scoped3A = tpu.sem_alloc : memref<!tpu.dma_semaphore, #tpu.memory_space<semaphore_mem>>
      %dma_start3A_233 = arith.constant 0 : i32
      %dma_start3A_234 = arith.constant 0 : i32
      %dma_start3A_235 = tpu.memref_slice %arg3[%dma_start3A_233, %dma_start3A_234] : memref<192x128xf32, #tpu.memory_space<hbm>> -> memref<128x128xf32, #tpu.memory_space<hbm>>
      %dma_start3A_236 = arith.constant 0 : i32
      %dma_start3A_237 = arith.constant 0 : i32
      %dma_start3A_238 = tpu.memref_slice %arg3[%dma_start3A_236, %dma_start3A_237] : memref<192x128xf32, #tpu.memory_space<hbm>> -> memref<128x128xf32, #tpu.memory_space<hbm>>
      tpu.enqueue_dma source(%dma_start3A_238 : memref<128x128xf32, #tpu.memory_space<hbm>>) target(%arg6 : memref<128x128xf32, #tpu.memory_space<vmem>>) target_semaphore(%run_scoped3A : memref<!tpu.dma_semaphore, #tpu.memory_space<semaphore_mem>>)
      %dma_wait3A_239 = arith.constant 0 : i32
      %dma_wait3A_240 = arith.constant 0 : i32
      %dma_wait3A_241 = tpu.memref_slice %arg3[%dma_wait3A_239, %dma_wait3A_240] : memref<192x128xf32, #tpu.memory_space<hbm>> -> memref<128x128xf32, #tpu.memory_space<hbm>>
      %dma_wait3A_242 = arith.constant 0 : i32
      %dma_wait3A_243 = arith.constant 0 : i32
      %dma_wait3A_244 = tpu.memref_slice %arg3[%dma_wait3A_242, %dma_wait3A_243] : memref<192x128xf32, #tpu.memory_space<hbm>> -> memref<128x128xf32, #tpu.memory_space<hbm>>
      tpu.wait_dma2 semaphore(%run_scoped3A : memref<!tpu.dma_semaphore, #tpu.memory_space<semaphore_mem>>) src(%dma_wait3A_244 : memref<128x128xf32, #tpu.memory_space<hbm>>) dst(%arg6 : memref<128x128xf32, #tpu.memory_space<vmem>>)
      tpu.yield
    }) : () -> ()
    "tpu.region"() ({
      %run_scoped3A = tpu.sem_alloc : memref<!tpu.dma_semaphore, #tpu.memory_space<semaphore_mem>>
      %dma_start3A_233 = arith.constant 128 : i32
      %dma_start3A_234 = arith.constant 0 : i32
      %dma_start3A_235 = tpu.memref_slice %arg3[%dma_start3A_233, %dma_start3A_234] : memref<192x128xf32, #tpu.memory_space<hbm>> -> memref<64x128xf32, #tpu.memory_space<hbm>>
      %dma_start3A_236 = arith.constant 128 : i32
      %dma_start3A_237 = arith.constant 0 : i32
      %dma_start3A_238 = tpu.memref_slice %arg3[%dma_start3A_236, %dma_start3A_237] : memref<192x128xf32, #tpu.memory_space<hbm>> -> memref<64x128xf32, #tpu.memory_space<hbm>>
      tpu.enqueue_dma source(%dma_start3A_238 : memref<64x128xf32, #tpu.memory_space<hbm>>) target(%arg7 : memref<64x128xf32, #tpu.memory_space<vmem>>) target_semaphore(%run_scoped3A : memref<!tpu.dma_semaphore, #tpu.memory_space<semaphore_mem>>)
      %dma_wait3A_239 = arith.constant 128 : i32
      %dma_wait3A_240 = arith.constant 0 : i32
      %dma_wait3A_241 = tpu.memref_slice %arg3[%dma_wait3A_239, %dma_wait3A_240] : memref<192x128xf32, #tpu.memory_space<hbm>> -> memref<64x128xf32, #tpu.memory_space<hbm>>
      %dma_wait3A_242 = arith.constant 128 : i32
      %dma_wait3A_243 = arith.constant 0 : i32
      %dma_wait3A_244 = tpu.memref_slice %arg3[%dma_wait3A_242, %dma_wait3A_243] : memref<192x128xf32, #tpu.memory_space<hbm>> -> memref<64x128xf32, #tpu.memory_space<hbm>>
      tpu.wait_dma2 semaphore(%run_scoped3A : memref<!tpu.dma_semaphore, #tpu.memory_space<semaphore_mem>>) src(%dma_wait3A_244 : memref<64x128xf32, #tpu.memory_space<hbm>>) dst(%arg7 : memref<64x128xf32, #tpu.memory_space<vmem>>)
      tpu.yield
    }) : () -> ()
    %mul3A_1 = arith.constant 640 : i32
    %mul3A_2 = arith.muli %arg1, %mul3A_1 : i32
    %add3A_3 = arith.constant 0 : i32
    %add3A_4 = arith.addi %mul3A_2, %add3A_3 : i32
    %dma_start3A = arith.constant 0 : i32
    %dma_start3A_5 = tpu.memref_slice %arg8[%add3A_4, %dma_start3A] : memref<10240x128xf32, #tpu.memory_space<vmem_shared>> -> memref<64x128xf32, #tpu.memory_space<vmem_shared>>
    %dma_start3A_6 = arith.constant 0 : i32
    %dma_start3A_7 = tpu.memref_slice %arg8[%add3A_4, %dma_start3A_6] : memref<10240x128xf32, #tpu.memory_space<vmem_shared>> -> memref<64x128xf32, #tpu.memory_space<vmem_shared>>
    tpu.enqueue_dma source(%arg7 : memref<64x128xf32, #tpu.memory_space<vmem>>) target(%dma_start3A_7 : memref<64x128xf32, #tpu.memory_space<vmem_shared>>) target_semaphore(%arg9 : memref<!tpu.dma_semaphore, #tpu.memory_space<semaphore_mem>>)
    %mul3A_8 = arith.constant 640 : i32
    %mul3A_9 = arith.muli %arg1, %mul3A_8 : i32
    %add3A_10 = arith.constant 64 : i32
    %add3A_11 = arith.addi %mul3A_9, %add3A_10 : i32
    %dma_start3A_12 = arith.constant 0 : i32
    %dma_start3A_13 = tpu.memref_slice %arg8[%add3A_11, %dma_start3A_12] : memref<10240x128xf32, #tpu.memory_space<vmem_shared>> -> memref<64x128xf32, #tpu.memory_space<vmem_shared>>
    %dma_start3A_14 = arith.constant 0 : i32
    %dma_start3A_15 = tpu.memref_slice %arg8[%add3A_11, %dma_start3A_14] : memref<10240x128xf32, #tpu.memory_space<vmem_shared>> -> memref<64x128xf32, #tpu.memory_space<vmem_shared>>
    tpu.enqueue_dma source(%arg7 : memref<64x128xf32, #tpu.memory_space<vmem>>) target(%dma_start3A_15 : memref<64x128xf32, #tpu.memory_space<vmem_shared>>) target_semaphore(%arg9 : memref<!tpu.dma_semaphore, #tpu.memory_space<semaphore_mem>>)
    %mul3A_16 = arith.constant 640 : i32
    %mul3A_17 = arith.muli %arg1, %mul3A_16 : i32
    %add3A_18 = arith.constant 128 : i32
    %add3A_19 = arith.addi %mul3A_17, %add3A_18 : i32
    %dma_start3A_20 = arith.constant 0 : i32
    %dma_start3A_21 = tpu.memref_slice %arg8[%add3A_19, %dma_start3A_20] : memref<10240x128xf32, #tpu.memory_space<vmem_shared>> -> memref<64x128xf32, #tpu.memory_space<vmem_shared>>
    %dma_start3A_22 = arith.constant 0 : i32
    %dma_start3A_23 = tpu.memref_slice %arg8[%add3A_19, %dma_start3A_22] : memref<10240x128xf32, #tpu.memory_space<vmem_shared>> -> memref<64x128xf32, #tpu.memory_space<vmem_shared>>
    tpu.enqueue_dma source(%arg7 : memref<64x128xf32, #tpu.memory_space<vmem>>) target(%dma_start3A_23 : memref<64x128xf32, #tpu.memory_space<vmem_shared>>) target_semaphore(%arg9 : memref<!tpu.dma_semaphore, #tpu.memory_space<semaphore_mem>>)
    %mul3A_24 = arith.constant 640 : i32
    %mul3A_25 = arith.muli %arg1, %mul3A_24 : i32
    %add3A_26 = arith.constant 192 : i32
    %add3A_27 = arith.addi %mul3A_25, %add3A_26 : i32
    %dma_start3A_28 = arith.constant 0 : i32
    %dma_start3A_29 = tpu.memref_slice %arg8[%add3A_27, %dma_start3A_28] : memref<10240x128xf32, #tpu.memory_space<vmem_shared>> -> memref<64x128xf32, #tpu.memory_space<vmem_shared>>
    %dma_start3A_30 = arith.constant 0 : i32
    %dma_start3A_31 = tpu.memref_slice %arg8[%add3A_27, %dma_start3A_30] : memref<10240x128xf32, #tpu.memory_space<vmem_shared>> -> memref<64x128xf32, #tpu.memory_space<vmem_shared>>
    tpu.enqueue_dma source(%arg7 : memref<64x128xf32, #tpu.memory_space<vmem>>) target(%dma_start3A_31 : memref<64x128xf32, #tpu.memory_space<vmem_shared>>) target_semaphore(%arg9 : memref<!tpu.dma_semaphore, #tpu.memory_space<semaphore_mem>>)
    %mul3A_32 = arith.constant 640 : i32
    %mul3A_33 = arith.muli %arg1, %mul3A_32 : i32
    %add3A_34 = arith.constant 256 : i32
    %add3A_35 = arith.addi %mul3A_33, %add3A_34 : i32
    %dma_start3A_36 = arith.constant 0 : i32
    %dma_start3A_37 = tpu.memref_slice %arg8[%add3A_35, %dma_start3A_36] : memref<10240x128xf32, #tpu.memory_space<vmem_shared>> -> memref<64x128xf32, #tpu.memory_space<vmem_shared>>
    %dma_start3A_38 = arith.constant 0 : i32
    %dma_start3A_39 = tpu.memref_slice %arg8[%add3A_35, %dma_start3A_38] : memref<10240x128xf32, #tpu.memory_space<vmem_shared>> -> memref<64x128xf32, #tpu.memory_space<vmem_shared>>
    tpu.enqueue_dma source(%arg7 : memref<64x128xf32, #tpu.memory_space<vmem>>) target(%dma_start3A_39 : memref<64x128xf32, #tpu.memory_space<vmem_shared>>) target_semaphore(%arg9 : memref<!tpu.dma_semaphore, #tpu.memory_space<semaphore_mem>>)
    %mul3A_40 = arith.constant 640 : i32
    %mul3A_41 = arith.muli %arg1, %mul3A_40 : i32
    %add3A_42 = arith.constant 320 : i32
    %add3A_43 = arith.addi %mul3A_41, %add3A_42 : i32
    %dma_start3A_44 = arith.constant 0 : i32
    %dma_start3A_45 = tpu.memref_slice %arg8[%add3A_43, %dma_start3A_44] : memref<10240x128xf32, #tpu.memory_space<vmem_shared>> -> memref<64x128xf32, #tpu.memory_space<vmem_shared>>
    %dma_start3A_46 = arith.constant 0 : i32
    %dma_start3A_47 = tpu.memref_slice %arg8[%add3A_43, %dma_start3A_46] : memref<10240x128xf32, #tpu.memory_space<vmem_shared>> -> memref<64x128xf32, #tpu.memory_space<vmem_shared>>
    tpu.enqueue_dma source(%arg7 : memref<64x128xf32, #tpu.memory_space<vmem>>) target(%dma_start3A_47 : memref<64x128xf32, #tpu.memory_space<vmem_shared>>) target_semaphore(%arg9 : memref<!tpu.dma_semaphore, #tpu.memory_space<semaphore_mem>>)
    %mul3A_48 = arith.constant 640 : i32
    %mul3A_49 = arith.muli %arg1, %mul3A_48 : i32
    %add3A_50 = arith.constant 384 : i32
    %add3A_51 = arith.addi %mul3A_49, %add3A_50 : i32
    %dma_start3A_52 = arith.constant 0 : i32
    %dma_start3A_53 = tpu.memref_slice %arg8[%add3A_51, %dma_start3A_52] : memref<10240x128xf32, #tpu.memory_space<vmem_shared>> -> memref<64x128xf32, #tpu.memory_space<vmem_shared>>
    %dma_start3A_54 = arith.constant 0 : i32
    %dma_start3A_55 = tpu.memref_slice %arg8[%add3A_51, %dma_start3A_54] : memref<10240x128xf32, #tpu.memory_space<vmem_shared>> -> memref<64x128xf32, #tpu.memory_space<vmem_shared>>
    tpu.enqueue_dma source(%arg7 : memref<64x128xf32, #tpu.memory_space<vmem>>) target(%dma_start3A_55 : memref<64x128xf32, #tpu.memory_space<vmem_shared>>) target_semaphore(%arg9 : memref<!tpu.dma_semaphore, #tpu.memory_space<semaphore_mem>>)
    %mul3A_56 = arith.constant 640 : i32
    %mul3A_57 = arith.muli %arg1, %mul3A_56 : i32
    %add3A_58 = arith.constant 448 : i32
    %add3A_59 = arith.addi %mul3A_57, %add3A_58 : i32
    %dma_start3A_60 = arith.constant 0 : i32
    %dma_start3A_61 = tpu.memref_slice %arg8[%add3A_59, %dma_start3A_60] : memref<10240x128xf32, #tpu.memory_space<vmem_shared>> -> memref<64x128xf32, #tpu.memory_space<vmem_shared>>
    %dma_start3A_62 = arith.constant 0 : i32
    %dma_start3A_63 = tpu.memref_slice %arg8[%add3A_59, %dma_start3A_62] : memref<10240x128xf32, #tpu.memory_space<vmem_shared>> -> memref<64x128xf32, #tpu.memory_space<vmem_shared>>
    tpu.enqueue_dma source(%arg7 : memref<64x128xf32, #tpu.memory_space<vmem>>) target(%dma_start3A_63 : memref<64x128xf32, #tpu.memory_space<vmem_shared>>) target_semaphore(%arg9 : memref<!tpu.dma_semaphore, #tpu.memory_space<semaphore_mem>>)
    %mul3A_64 = arith.constant 640 : i32
    %mul3A_65 = arith.muli %arg1, %mul3A_64 : i32
    %add3A_66 = arith.constant 512 : i32
    %add3A_67 = arith.addi %mul3A_65, %add3A_66 : i32
    %dma_start3A_68 = arith.constant 0 : i32
    %dma_start3A_69 = tpu.memref_slice %arg8[%add3A_67, %dma_start3A_68] : memref<10240x128xf32, #tpu.memory_space<vmem_shared>> -> memref<64x128xf32, #tpu.memory_space<vmem_shared>>
    %dma_start3A_70 = arith.constant 0 : i32
    %dma_start3A_71 = tpu.memref_slice %arg8[%add3A_67, %dma_start3A_70] : memref<10240x128xf32, #tpu.memory_space<vmem_shared>> -> memref<64x128xf32, #tpu.memory_space<vmem_shared>>
    tpu.enqueue_dma source(%arg7 : memref<64x128xf32, #tpu.memory_space<vmem>>) target(%dma_start3A_71 : memref<64x128xf32, #tpu.memory_space<vmem_shared>>) target_semaphore(%arg9 : memref<!tpu.dma_semaphore, #tpu.memory_space<semaphore_mem>>)
    %mul3A_72 = arith.constant 640 : i32
    %mul3A_73 = arith.muli %arg1, %mul3A_72 : i32
    %add3A_74 = arith.constant 576 : i32
    %add3A_75 = arith.addi %mul3A_73, %add3A_74 : i32
    %dma_start3A_76 = arith.constant 0 : i32
    %dma_start3A_77 = tpu.memref_slice %arg8[%add3A_75, %dma_start3A_76] : memref<10240x128xf32, #tpu.memory_space<vmem_shared>> -> memref<64x128xf32, #tpu.memory_space<vmem_shared>>
    %dma_start3A_78 = arith.constant 0 : i32
    %dma_start3A_79 = tpu.memref_slice %arg8[%add3A_75, %dma_start3A_78] : memref<10240x128xf32, #tpu.memory_space<vmem_shared>> -> memref<64x128xf32, #tpu.memory_space<vmem_shared>>
    tpu.enqueue_dma source(%arg7 : memref<64x128xf32, #tpu.memory_space<vmem>>) target(%dma_start3A_79 : memref<64x128xf32, #tpu.memory_space<vmem_shared>>) target_semaphore(%arg9 : memref<!tpu.dma_semaphore, #tpu.memory_space<semaphore_mem>>)
    "tpu.region"() ({
      %run_scoped3A = tpu.sem_alloc : memref<!tpu.dma_semaphore, #tpu.memory_space<semaphore_mem>>
      %dma_start3A_233 = arith.constant 0 : i32
      %dma_start3A_234 = arith.constant 0 : i32
      %dma_start3A_235 = tpu.memref_slice %arg2[%add3A, %dma_start3A_233, %dma_start3A_234] : memref<32x79x128xi32, #tpu.memory_space<hbm>> -> memref<1x79x128xi32, #tpu.memory_space<hbm>>
      %dma_start3A_236 = tpu.memref_squeeze %dma_start3A_235 : memref<1x79x128xi32, #tpu.memory_space<hbm>> -> memref<79x128xi32, #tpu.memory_space<hbm>>
      %dma_start3A_237 = arith.constant 0 : i32
      %dma_start3A_238 = arith.constant 0 : i32
      %dma_start3A_239 = tpu.memref_slice %arg2[%add3A, %dma_start3A_237, %dma_start3A_238] : memref<32x79x128xi32, #tpu.memory_space<hbm>> -> memref<1x79x128xi32, #tpu.memory_space<hbm>>
      %dma_start3A_240 = tpu.memref_squeeze %dma_start3A_239 : memref<1x79x128xi32, #tpu.memory_space<hbm>> -> memref<79x128xi32, #tpu.memory_space<hbm>>
      tpu.enqueue_dma source(%dma_start3A_240 : memref<79x128xi32, #tpu.memory_space<hbm>>) target(%arg5 : memref<79x128xi32, #tpu.memory_space<vmem>>) target_semaphore(%run_scoped3A : memref<!tpu.dma_semaphore, #tpu.memory_space<semaphore_mem>>)
      %dma_wait3A_241 = arith.constant 0 : i32
      %dma_wait3A_242 = arith.constant 0 : i32
      %dma_wait3A_243 = tpu.memref_slice %arg2[%add3A, %dma_wait3A_241, %dma_wait3A_242] : memref<32x79x128xi32, #tpu.memory_space<hbm>> -> memref<1x79x128xi32, #tpu.memory_space<hbm>>
      %dma_wait3A_244 = tpu.memref_squeeze %dma_wait3A_243 : memref<1x79x128xi32, #tpu.memory_space<hbm>> -> memref<79x128xi32, #tpu.memory_space<hbm>>
      %dma_wait3A_245 = arith.constant 0 : i32
      %dma_wait3A_246 = arith.constant 0 : i32
      %dma_wait3A_247 = tpu.memref_slice %arg2[%add3A, %dma_wait3A_245, %dma_wait3A_246] : memref<32x79x128xi32, #tpu.memory_space<hbm>> -> memref<1x79x128xi32, #tpu.memory_space<hbm>>
      %dma_wait3A_248 = tpu.memref_squeeze %dma_wait3A_247 : memref<1x79x128xi32, #tpu.memory_space<hbm>> -> memref<79x128xi32, #tpu.memory_space<hbm>>
      tpu.wait_dma2 semaphore(%run_scoped3A : memref<!tpu.dma_semaphore, #tpu.memory_space<semaphore_mem>>) src(%dma_wait3A_248 : memref<79x128xi32, #tpu.memory_space<hbm>>) dst(%arg5 : memref<79x128xi32, #tpu.memory_space<vmem>>)
      tpu.yield
    }) : () -> ()
    %mul3A_80 = arith.constant 640 : i32
    %mul3A_81 = arith.muli %arg1, %mul3A_80 : i32
    %add3A_82 = arith.constant 0 : i32
    %add3A_83 = arith.addi %mul3A_81, %add3A_82 : i32
    %dma_wait3A = arith.constant 0 : i32
    %dma_wait3A_84 = tpu.memref_slice %arg8[%add3A_83, %dma_wait3A] : memref<10240x128xf32, #tpu.memory_space<vmem_shared>> -> memref<64x128xf32, #tpu.memory_space<vmem_shared>>
    %dma_wait3A_85 = arith.constant 0 : i32
    %dma_wait3A_86 = tpu.memref_slice %arg8[%add3A_83, %dma_wait3A_85] : memref<10240x128xf32, #tpu.memory_space<vmem_shared>> -> memref<64x128xf32, #tpu.memory_space<vmem_shared>>
    tpu.wait_dma2 semaphore(%arg9 : memref<!tpu.dma_semaphore, #tpu.memory_space<semaphore_mem>>) src(%arg7 : memref<64x128xf32, #tpu.memory_space<vmem>>) dst(%dma_wait3A_86 : memref<64x128xf32, #tpu.memory_space<vmem_shared>>)
    %mul3A_87 = arith.constant 640 : i32
    %mul3A_88 = arith.muli %arg1, %mul3A_87 : i32
    %add3A_89 = arith.constant 64 : i32
    %add3A_90 = arith.addi %mul3A_88, %add3A_89 : i32
    %dma_wait3A_91 = arith.constant 0 : i32
    %dma_wait3A_92 = tpu.memref_slice %arg8[%add3A_90, %dma_wait3A_91] : memref<10240x128xf32, #tpu.memory_space<vmem_shared>> -> memref<64x128xf32, #tpu.memory_space<vmem_shared>>
    %dma_wait3A_93 = arith.constant 0 : i32
    %dma_wait3A_94 = tpu.memref_slice %arg8[%add3A_90, %dma_wait3A_93] : memref<10240x128xf32, #tpu.memory_space<vmem_shared>> -> memref<64x128xf32, #tpu.memory_space<vmem_shared>>
    tpu.wait_dma2 semaphore(%arg9 : memref<!tpu.dma_semaphore, #tpu.memory_space<semaphore_mem>>) src(%arg7 : memref<64x128xf32, #tpu.memory_space<vmem>>) dst(%dma_wait3A_94 : memref<64x128xf32, #tpu.memory_space<vmem_shared>>)
    %mul3A_95 = arith.constant 640 : i32
    %mul3A_96 = arith.muli %arg1, %mul3A_95 : i32
    %add3A_97 = arith.constant 128 : i32
    %add3A_98 = arith.addi %mul3A_96, %add3A_97 : i32
    %dma_wait3A_99 = arith.constant 0 : i32
    %dma_wait3A_100 = tpu.memref_slice %arg8[%add3A_98, %dma_wait3A_99] : memref<10240x128xf32, #tpu.memory_space<vmem_shared>> -> memref<64x128xf32, #tpu.memory_space<vmem_shared>>
    %dma_wait3A_101 = arith.constant 0 : i32
    %dma_wait3A_102 = tpu.memref_slice %arg8[%add3A_98, %dma_wait3A_101] : memref<10240x128xf32, #tpu.memory_space<vmem_shared>> -> memref<64x128xf32, #tpu.memory_space<vmem_shared>>
    tpu.wait_dma2 semaphore(%arg9 : memref<!tpu.dma_semaphore, #tpu.memory_space<semaphore_mem>>) src(%arg7 : memref<64x128xf32, #tpu.memory_space<vmem>>) dst(%dma_wait3A_102 : memref<64x128xf32, #tpu.memory_space<vmem_shared>>)
    %mul3A_103 = arith.constant 640 : i32
    %mul3A_104 = arith.muli %arg1, %mul3A_103 : i32
    %add3A_105 = arith.constant 192 : i32
    %add3A_106 = arith.addi %mul3A_104, %add3A_105 : i32
    %dma_wait3A_107 = arith.constant 0 : i32
    %dma_wait3A_108 = tpu.memref_slice %arg8[%add3A_106, %dma_wait3A_107] : memref<10240x128xf32, #tpu.memory_space<vmem_shared>> -> memref<64x128xf32, #tpu.memory_space<vmem_shared>>
    %dma_wait3A_109 = arith.constant 0 : i32
    %dma_wait3A_110 = tpu.memref_slice %arg8[%add3A_106, %dma_wait3A_109] : memref<10240x128xf32, #tpu.memory_space<vmem_shared>> -> memref<64x128xf32, #tpu.memory_space<vmem_shared>>
    tpu.wait_dma2 semaphore(%arg9 : memref<!tpu.dma_semaphore, #tpu.memory_space<semaphore_mem>>) src(%arg7 : memref<64x128xf32, #tpu.memory_space<vmem>>) dst(%dma_wait3A_110 : memref<64x128xf32, #tpu.memory_space<vmem_shared>>)
    %mul3A_111 = arith.constant 640 : i32
    %mul3A_112 = arith.muli %arg1, %mul3A_111 : i32
    %add3A_113 = arith.constant 256 : i32
    %add3A_114 = arith.addi %mul3A_112, %add3A_113 : i32
    %dma_wait3A_115 = arith.constant 0 : i32
    %dma_wait3A_116 = tpu.memref_slice %arg8[%add3A_114, %dma_wait3A_115] : memref<10240x128xf32, #tpu.memory_space<vmem_shared>> -> memref<64x128xf32, #tpu.memory_space<vmem_shared>>
    %dma_wait3A_117 = arith.constant 0 : i32
    %dma_wait3A_118 = tpu.memref_slice %arg8[%add3A_114, %dma_wait3A_117] : memref<10240x128xf32, #tpu.memory_space<vmem_shared>> -> memref<64x128xf32, #tpu.memory_space<vmem_shared>>
    tpu.wait_dma2 semaphore(%arg9 : memref<!tpu.dma_semaphore, #tpu.memory_space<semaphore_mem>>) src(%arg7 : memref<64x128xf32, #tpu.memory_space<vmem>>) dst(%dma_wait3A_118 : memref<64x128xf32, #tpu.memory_space<vmem_shared>>)
    %mul3A_119 = arith.constant 640 : i32
    %mul3A_120 = arith.muli %arg1, %mul3A_119 : i32
    %add3A_121 = arith.constant 320 : i32
    %add3A_122 = arith.addi %mul3A_120, %add3A_121 : i32
    %dma_wait3A_123 = arith.constant 0 : i32
    %dma_wait3A_124 = tpu.memref_slice %arg8[%add3A_122, %dma_wait3A_123] : memref<10240x128xf32, #tpu.memory_space<vmem_shared>> -> memref<64x128xf32, #tpu.memory_space<vmem_shared>>
    %dma_wait3A_125 = arith.constant 0 : i32
    %dma_wait3A_126 = tpu.memref_slice %arg8[%add3A_122, %dma_wait3A_125] : memref<10240x128xf32, #tpu.memory_space<vmem_shared>> -> memref<64x128xf32, #tpu.memory_space<vmem_shared>>
    tpu.wait_dma2 semaphore(%arg9 : memref<!tpu.dma_semaphore, #tpu.memory_space<semaphore_mem>>) src(%arg7 : memref<64x128xf32, #tpu.memory_space<vmem>>) dst(%dma_wait3A_126 : memref<64x128xf32, #tpu.memory_space<vmem_shared>>)
    %mul3A_127 = arith.constant 640 : i32
    %mul3A_128 = arith.muli %arg1, %mul3A_127 : i32
    %add3A_129 = arith.constant 384 : i32
    %add3A_130 = arith.addi %mul3A_128, %add3A_129 : i32
    %dma_wait3A_131 = arith.constant 0 : i32
    %dma_wait3A_132 = tpu.memref_slice %arg8[%add3A_130, %dma_wait3A_131] : memref<10240x128xf32, #tpu.memory_space<vmem_shared>> -> memref<64x128xf32, #tpu.memory_space<vmem_shared>>
    %dma_wait3A_133 = arith.constant 0 : i32
    %dma_wait3A_134 = tpu.memref_slice %arg8[%add3A_130, %dma_wait3A_133] : memref<10240x128xf32, #tpu.memory_space<vmem_shared>> -> memref<64x128xf32, #tpu.memory_space<vmem_shared>>
    tpu.wait_dma2 semaphore(%arg9 : memref<!tpu.dma_semaphore, #tpu.memory_space<semaphore_mem>>) src(%arg7 : memref<64x128xf32, #tpu.memory_space<vmem>>) dst(%dma_wait3A_134 : memref<64x128xf32, #tpu.memory_space<vmem_shared>>)
    %mul3A_135 = arith.constant 640 : i32
    %mul3A_136 = arith.muli %arg1, %mul3A_135 : i32
    %add3A_137 = arith.constant 448 : i32
    %add3A_138 = arith.addi %mul3A_136, %add3A_137 : i32
    %dma_wait3A_139 = arith.constant 0 : i32
    %dma_wait3A_140 = tpu.memref_slice %arg8[%add3A_138, %dma_wait3A_139] : memref<10240x128xf32, #tpu.memory_space<vmem_shared>> -> memref<64x128xf32, #tpu.memory_space<vmem_shared>>
    %dma_wait3A_141 = arith.constant 0 : i32
    %dma_wait3A_142 = tpu.memref_slice %arg8[%add3A_138, %dma_wait3A_141] : memref<10240x128xf32, #tpu.memory_space<vmem_shared>> -> memref<64x128xf32, #tpu.memory_space<vmem_shared>>
    tpu.wait_dma2 semaphore(%arg9 : memref<!tpu.dma_semaphore, #tpu.memory_space<semaphore_mem>>) src(%arg7 : memref<64x128xf32, #tpu.memory_space<vmem>>) dst(%dma_wait3A_142 : memref<64x128xf32, #tpu.memory_space<vmem_shared>>)
    %mul3A_143 = arith.constant 640 : i32
    %mul3A_144 = arith.muli %arg1, %mul3A_143 : i32
    %add3A_145 = arith.constant 512 : i32
    %add3A_146 = arith.addi %mul3A_144, %add3A_145 : i32
    %dma_wait3A_147 = arith.constant 0 : i32
    %dma_wait3A_148 = tpu.memref_slice %arg8[%add3A_146, %dma_wait3A_147] : memref<10240x128xf32, #tpu.memory_space<vmem_shared>> -> memref<64x128xf32, #tpu.memory_space<vmem_shared>>
    %dma_wait3A_149 = arith.constant 0 : i32
    %dma_wait3A_150 = tpu.memref_slice %arg8[%add3A_146, %dma_wait3A_149] : memref<10240x128xf32, #tpu.memory_space<vmem_shared>> -> memref<64x128xf32, #tpu.memory_space<vmem_shared>>
    tpu.wait_dma2 semaphore(%arg9 : memref<!tpu.dma_semaphore, #tpu.memory_space<semaphore_mem>>) src(%arg7 : memref<64x128xf32, #tpu.memory_space<vmem>>) dst(%dma_wait3A_150 : memref<64x128xf32, #tpu.memory_space<vmem_shared>>)
    %mul3A_151 = arith.constant 640 : i32
    %mul3A_152 = arith.muli %arg1, %mul3A_151 : i32
    %add3A_153 = arith.constant 576 : i32
    %add3A_154 = arith.addi %mul3A_152, %add3A_153 : i32
    %dma_wait3A_155 = arith.constant 0 : i32
    %dma_wait3A_156 = tpu.memref_slice %arg8[%add3A_154, %dma_wait3A_155] : memref<10240x128xf32, #tpu.memory_space<vmem_shared>> -> memref<64x128xf32, #tpu.memory_space<vmem_shared>>
    %dma_wait3A_157 = arith.constant 0 : i32
    %dma_wait3A_158 = tpu.memref_slice %arg8[%add3A_154, %dma_wait3A_157] : memref<10240x128xf32, #tpu.memory_space<vmem_shared>> -> memref<64x128xf32, #tpu.memory_space<vmem_shared>>
    tpu.wait_dma2 semaphore(%arg9 : memref<!tpu.dma_semaphore, #tpu.memory_space<semaphore_mem>>) src(%arg7 : memref<64x128xf32, #tpu.memory_space<vmem>>) dst(%dma_wait3A_158 : memref<64x128xf32, #tpu.memory_space<vmem_shared>>)
    %barrier3A = arith.constant 0 : index
    tpu.barrier barrier_id(%barrier3A)
    %dma_start3A_159 = arith.constant 0 : i32
    %dma_start3A_160 = arith.constant 0 : i32
    %dma_start3A_161 = tpu.memref_slice %arg5[%dma_start3A_159, %dma_start3A_160] : memref<79x128xi32, #tpu.memory_space<vmem>> -> memref<1x128xi32, #tpu.memory_space<vmem>>
    %dma_start3A_162 = tpu.memref_squeeze %dma_start3A_161 : memref<1x128xi32, #tpu.memory_space<vmem>> -> memref<128xi32, #tpu.memory_space<vmem>>
    %dma_start3A_163 = arith.constant 0 : i32
    %dma_start3A_164 = arith.constant 0 : i32
    %dma_start3A_165 = tpu.memref_slice %arg8[%dma_start3A_163, %dma_start3A_164] : memref<10240x128xf32, #tpu.memory_space<vmem_shared>> -> memref<10240x128xf32, #tpu.memory_space<vmem_shared>>
    tpu.enqueue_indirect_dma source(%arg6 : memref<128x128xf32, #tpu.memory_space<vmem>>) target(%dma_start3A_165 : memref<10240x128xf32, #tpu.memory_space<vmem_shared>>) offsets(%dma_start3A_162 : memref<128xi32, #tpu.memory_space<vmem>>) semaphore(%arg10 : memref<!tpu.dma_semaphore, #tpu.memory_space<semaphore_mem>>) {add = true}
    %dma_start3A_166 = arith.constant 1 : i32
    %dma_start3A_167 = arith.constant 0 : i32
    %dma_start3A_168 = tpu.memref_slice %arg5[%dma_start3A_166, %dma_start3A_167] : memref<79x128xi32, #tpu.memory_space<vmem>> -> memref<1x128xi32, #tpu.memory_space<vmem>>
    %dma_start3A_169 = tpu.memref_squeeze %dma_start3A_168 : memref<1x128xi32, #tpu.memory_space<vmem>> -> memref<128xi32, #tpu.memory_space<vmem>>
    %dma_start3A_170 = arith.constant 0 : i32
    %dma_start3A_171 = arith.constant 0 : i32
    %dma_start3A_172 = tpu.memref_slice %arg8[%dma_start3A_170, %dma_start3A_171] : memref<10240x128xf32, #tpu.memory_space<vmem_shared>> -> memref<10240x128xf32, #tpu.memory_space<vmem_shared>>
    tpu.enqueue_indirect_dma source(%arg6 : memref<128x128xf32, #tpu.memory_space<vmem>>) target(%dma_start3A_172 : memref<10240x128xf32, #tpu.memory_space<vmem_shared>>) offsets(%dma_start3A_169 : memref<128xi32, #tpu.memory_space<vmem>>) semaphore(%arg10 : memref<!tpu.dma_semaphore, #tpu.memory_space<semaphore_mem>>) {add = true}
    %dma_start3A_173 = arith.constant 2 : i32
    %dma_start3A_174 = arith.constant 0 : i32
    %dma_start3A_175 = tpu.memref_slice %arg5[%dma_start3A_173, %dma_start3A_174] : memref<79x128xi32, #tpu.memory_space<vmem>> -> memref<1x128xi32, #tpu.memory_space<vmem>>
    %dma_start3A_176 = tpu.memref_squeeze %dma_start3A_175 : memref<1x128xi32, #tpu.memory_space<vmem>> -> memref<128xi32, #tpu.memory_space<vmem>>
    %dma_start3A_177 = arith.constant 0 : i32
    %dma_start3A_178 = arith.constant 0 : i32
    %dma_start3A_179 = tpu.memref_slice %arg8[%dma_start3A_177, %dma_start3A_178] : memref<10240x128xf32, #tpu.memory_space<vmem_shared>> -> memref<10240x128xf32, #tpu.memory_space<vmem_shared>>
    tpu.enqueue_indirect_dma source(%arg6 : memref<128x128xf32, #tpu.memory_space<vmem>>) target(%dma_start3A_179 : memref<10240x128xf32, #tpu.memory_space<vmem_shared>>) offsets(%dma_start3A_176 : memref<128xi32, #tpu.memory_space<vmem>>) semaphore(%arg10 : memref<!tpu.dma_semaphore, #tpu.memory_space<semaphore_mem>>) {add = true}
    %dma_start3A_180 = arith.constant 3 : i32
    %dma_start3A_181 = arith.constant 0 : i32
    %dma_start3A_182 = tpu.memref_slice %arg5[%dma_start3A_180, %dma_start3A_181] : memref<79x128xi32, #tpu.memory_space<vmem>> -> memref<1x128xi32, #tpu.memory_space<vmem>>
    %dma_start3A_183 = tpu.memref_squeeze %dma_start3A_182 : memref<1x128xi32, #tpu.memory_space<vmem>> -> memref<128xi32, #tpu.memory_space<vmem>>
    %dma_start3A_184 = arith.constant 0 : i32
    %dma_start3A_185 = arith.constant 0 : i32
    %dma_start3A_186 = tpu.memref_slice %arg8[%dma_start3A_184, %dma_start3A_185] : memref<10240x128xf32, #tpu.memory_space<vmem_shared>> -> memref<10240x128xf32, #tpu.memory_space<vmem_shared>>
    tpu.enqueue_indirect_dma source(%arg6 : memref<128x128xf32, #tpu.memory_space<vmem>>) target(%dma_start3A_186 : memref<10240x128xf32, #tpu.memory_space<vmem_shared>>) offsets(%dma_start3A_183 : memref<128xi32, #tpu.memory_space<vmem>>) semaphore(%arg10 : memref<!tpu.dma_semaphore, #tpu.memory_space<semaphore_mem>>) {add = true}
    %dma_start3A_187 = arith.constant 4 : i32
    %dma_start3A_188 = arith.constant 0 : i32
    %dma_start3A_189 = tpu.memref_slice %arg5[%dma_start3A_187, %dma_start3A_188] : memref<79x128xi32, #tpu.memory_space<vmem>> -> memref<1x128xi32, #tpu.memory_space<vmem>>
    %dma_start3A_190 = tpu.memref_squeeze %dma_start3A_189 : memref<1x128xi32, #tpu.memory_space<vmem>> -> memref<128xi32, #tpu.memory_space<vmem>>
    %dma_start3A_191 = arith.constant 0 : i32
    %dma_start3A_192 = arith.constant 0 : i32
    %dma_start3A_193 = tpu.memref_slice %arg8[%dma_start3A_191, %dma_start3A_192] : memref<10240x128xf32, #tpu.memory_space<vmem_shared>> -> memref<10240x128xf32, #tpu.memory_space<vmem_shared>>
    tpu.enqueue_indirect_dma source(%arg6 : memref<128x128xf32, #tpu.memory_space<vmem>>) target(%dma_start3A_193 : memref<10240x128xf32, #tpu.memory_space<vmem_shared>>) offsets(%dma_start3A_190 : memref<128xi32, #tpu.memory_space<vmem>>) semaphore(%arg10 : memref<!tpu.dma_semaphore, #tpu.memory_space<semaphore_mem>>) {add = true}
    %dma_start3A_194 = arith.constant 5 : i32
    %dma_start3A_195 = arith.constant 0 : i32
    %dma_start3A_196 = tpu.memref_slice %arg5[%dma_start3A_194, %dma_start3A_195] : memref<79x128xi32, #tpu.memory_space<vmem>> -> memref<1x128xi32, #tpu.memory_space<vmem>>
    %dma_start3A_197 = tpu.memref_squeeze %dma_start3A_196 : memref<1x128xi32, #tpu.memory_space<vmem>> -> memref<128xi32, #tpu.memory_space<vmem>>
    %dma_start3A_198 = arith.constant 0 : i32
    %dma_start3A_199 = arith.constant 0 : i32
    %dma_start3A_200 = tpu.memref_slice %arg8[%dma_start3A_198, %dma_start3A_199] : memref<10240x128xf32, #tpu.memory_space<vmem_shared>> -> memref<10240x128xf32, #tpu.memory_space<vmem_shared>>
    tpu.enqueue_indirect_dma source(%arg6 : memref<128x128xf32, #tpu.memory_space<vmem>>) target(%dma_start3A_200 : memref<10240x128xf32, #tpu.memory_space<vmem_shared>>) offsets(%dma_start3A_197 : memref<128xi32, #tpu.memory_space<vmem>>) semaphore(%arg10 : memref<!tpu.dma_semaphore, #tpu.memory_space<semaphore_mem>>) {add = true}
    %dma_start3A_201 = arith.constant 6 : i32
    %dma_start3A_202 = arith.constant 0 : i32
    %dma_start3A_203 = tpu.memref_slice %arg5[%dma_start3A_201, %dma_start3A_202] : memref<79x128xi32, #tpu.memory_space<vmem>> -> memref<1x128xi32, #tpu.memory_space<vmem>>
    %dma_start3A_204 = tpu.memref_squeeze %dma_start3A_203 : memref<1x128xi32, #tpu.memory_space<vmem>> -> memref<128xi32, #tpu.memory_space<vmem>>
    %dma_start3A_205 = arith.constant 0 : i32
    %dma_start3A_206 = arith.constant 0 : i32
    %dma_start3A_207 = tpu.memref_slice %arg8[%dma_start3A_205, %dma_start3A_206] : memref<10240x128xf32, #tpu.memory_space<vmem_shared>> -> memref<10240x128xf32, #tpu.memory_space<vmem_shared>>
    tpu.enqueue_indirect_dma source(%arg6 : memref<128x128xf32, #tpu.memory_space<vmem>>) target(%dma_start3A_207 : memref<10240x128xf32, #tpu.memory_space<vmem_shared>>) offsets(%dma_start3A_204 : memref<128xi32, #tpu.memory_space<vmem>>) semaphore(%arg10 : memref<!tpu.dma_semaphore, #tpu.memory_space<semaphore_mem>>) {add = true}
    %dma_start3A_208 = arith.constant 7 : i32
    %dma_start3A_209 = arith.constant 0 : i32
    %dma_start3A_210 = tpu.memref_slice %arg5[%dma_start3A_208, %dma_start3A_209] : memref<79x128xi32, #tpu.memory_space<vmem>> -> memref<1x128xi32, #tpu.memory_space<vmem>>
    %dma_start3A_211 = tpu.memref_squeeze %dma_start3A_210 : memref<1x128xi32, #tpu.memory_space<vmem>> -> memref<128xi32, #tpu.memory_space<vmem>>
    %dma_start3A_212 = arith.constant 0 : i32
    %dma_start3A_213 = arith.constant 0 : i32
    %dma_start3A_214 = tpu.memref_slice %arg8[%dma_start3A_212, %dma_start3A_213] : memref<10240x128xf32, #tpu.memory_space<vmem_shared>> -> memref<10240x128xf32, #tpu.memory_space<vmem_shared>>
    tpu.enqueue_indirect_dma source(%arg6 : memref<128x128xf32, #tpu.memory_space<vmem>>) target(%dma_start3A_214 : memref<10240x128xf32, #tpu.memory_space<vmem_shared>>) offsets(%dma_start3A_211 : memref<128xi32, #tpu.memory_space<vmem>>) semaphore(%arg10 : memref<!tpu.dma_semaphore, #tpu.memory_space<semaphore_mem>>) {add = true}
    %scan3A = arith.constant 0 : i32
    %scan3A_215 = arith.constant 0 : i32
    %scan3A_216 = arith.constant 71 : i32
    %scan3A_217 = arith.addi %scan3A_215, %scan3A_216 : i32
    %scan3A_218 = arith.constant 1 : i32
    %scan3A_219 = scf.for %scan3A_233 = %scan3A_215 to %scan3A_217 step %scan3A_218 iter_args(%scan3A_234 = %scan3A) -> (i32)  : i32 {
      %dma_wait3A_235 = arith.constant 0 : i32
      %dma_wait3A_236 = tpu.memref_slice %arg5[%scan3A_233, %dma_wait3A_235] : memref<79x128xi32, #tpu.memory_space<vmem>> -> memref<1x128xi32, #tpu.memory_space<vmem>>
      %dma_wait3A_237 = tpu.memref_squeeze %dma_wait3A_236 : memref<1x128xi32, #tpu.memory_space<vmem>> -> memref<128xi32, #tpu.memory_space<vmem>>
      %dma_wait3A_238 = arith.constant 0 : i32
      %dma_wait3A_239 = arith.constant 0 : i32
      %dma_wait3A_240 = tpu.memref_slice %arg8[%dma_wait3A_238, %dma_wait3A_239] : memref<10240x128xf32, #tpu.memory_space<vmem_shared>> -> memref<10240x128xf32, #tpu.memory_space<vmem_shared>>
      tpu.wait_indirect_dma semaphore(%arg10 : memref<!tpu.dma_semaphore, #tpu.memory_space<semaphore_mem>>) src(%arg6 : memref<128x128xf32, #tpu.memory_space<vmem>>) dst(%dma_wait3A_240 : memref<10240x128xf32, #tpu.memory_space<vmem_shared>>)
      %add3A_241 = arith.constant 8 : i32
      %add3A_242 = arith.addi %scan3A_233, %add3A_241 : i32
      %dma_start3A_243 = arith.constant 0 : i32
      %dma_start3A_244 = tpu.memref_slice %arg5[%add3A_242, %dma_start3A_243] : memref<79x128xi32, #tpu.memory_space<vmem>> -> memref<1x128xi32, #tpu.memory_space<vmem>>
      %dma_start3A_245 = tpu.memref_squeeze %dma_start3A_244 : memref<1x128xi32, #tpu.memory_space<vmem>> -> memref<128xi32, #tpu.memory_space<vmem>>
      %dma_start3A_246 = arith.constant 0 : i32
      %dma_start3A_247 = arith.constant 0 : i32
      %dma_start3A_248 = tpu.memref_slice %arg8[%dma_start3A_246, %dma_start3A_247] : memref<10240x128xf32, #tpu.memory_space<vmem_shared>> -> memref<10240x128xf32, #tpu.memory_space<vmem_shared>>
      tpu.enqueue_indirect_dma source(%arg6 : memref<128x128xf32, #tpu.memory_space<vmem>>) target(%dma_start3A_248 : memref<10240x128xf32, #tpu.memory_space<vmem_shared>>) offsets(%dma_start3A_245 : memref<128xi32, #tpu.memory_space<vmem>>) semaphore(%arg10 : memref<!tpu.dma_semaphore, #tpu.memory_space<semaphore_mem>>) {add = true}
      %scan3A_249 = arith.constant 0 : i32
      scf.yield %scan3A_249 : i32
    }
    %scan3A_220 = arith.constant 71 : i32
    %scan3A_221 = arith.constant 0 : i32
    %scan3A_222 = arith.constant 0 : i32
    %scan3A_223 = arith.constant 8 : i32
    %scan3A_224 = arith.addi %scan3A_222, %scan3A_223 : i32
    %scan3A_225 = arith.constant 1 : i32
    %scan3A_226 = scf.for %scan3A_233 = %scan3A_222 to %scan3A_224 step %scan3A_225 iter_args(%scan3A_234 = %scan3A_221) -> (i32)  : i32 {
      %dma_wait3A_235 = arith.constant 0 : i32
      %dma_wait3A_236 = tpu.memref_slice %arg5[%scan3A_233, %dma_wait3A_235] : memref<79x128xi32, #tpu.memory_space<vmem>> -> memref<1x128xi32, #tpu.memory_space<vmem>>
      %dma_wait3A_237 = tpu.memref_squeeze %dma_wait3A_236 : memref<1x128xi32, #tpu.memory_space<vmem>> -> memref<128xi32, #tpu.memory_space<vmem>>
      %dma_wait3A_238 = arith.constant 0 : i32
      %dma_wait3A_239 = arith.constant 0 : i32
      %dma_wait3A_240 = tpu.memref_slice %arg8[%dma_wait3A_238, %dma_wait3A_239] : memref<10240x128xf32, #tpu.memory_space<vmem_shared>> -> memref<10240x128xf32, #tpu.memory_space<vmem_shared>>
      tpu.wait_indirect_dma semaphore(%arg10 : memref<!tpu.dma_semaphore, #tpu.memory_space<semaphore_mem>>) src(%arg6 : memref<128x128xf32, #tpu.memory_space<vmem>>) dst(%dma_wait3A_240 : memref<10240x128xf32, #tpu.memory_space<vmem_shared>>)
      %scan3A_241 = arith.constant 0 : i32
      scf.yield %scan3A_241 : i32
    }
    %scan3A_227 = arith.constant 8 : i32
    %barrier3A_228 = arith.constant 0 : index
    tpu.barrier barrier_id(%barrier3A_228)
    %mul3A_229 = arith.constant 640 : i32
    %mul3A_230 = arith.muli %arg1, %mul3A_229 : i32
    %mul3A_231 = arith.constant 640 : i32
    %mul3A_232 = arith.muli %arg1, %mul3A_231 : i32
    "tpu.region"() ({
      %run_scoped3A = tpu.sem_alloc : memref<!tpu.dma_semaphore, #tpu.memory_space<semaphore_mem>>
      %dma_start3A_233 = arith.constant 0 : i32
      %dma_start3A_234 = tpu.memref_slice %arg4[%arg0, %mul3A_232, %dma_start3A_233] : memref<2x10240x128xf32, #tpu.memory_space<hbm>> -> memref<1x640x128xf32, #tpu.memory_space<hbm>>
      %dma_start3A_235 = tpu.memref_squeeze %dma_start3A_234 : memref<1x640x128xf32, #tpu.memory_space<hbm>> -> memref<640x128xf32, #tpu.memory_space<hbm>>
      %dma_start3A_236 = arith.constant 0 : i32
      %dma_start3A_237 = tpu.memref_slice %arg8[%mul3A_230, %dma_start3A_236] : memref<10240x128xf32, #tpu.memory_space<vmem_shared>> -> memref<640x128xf32, #tpu.memory_space<vmem_shared>>
      tpu.enqueue_dma source(%dma_start3A_237 : memref<640x128xf32, #tpu.memory_space<vmem_shared>>) target(%dma_start3A_235 : memref<640x128xf32, #tpu.memory_space<hbm>>) target_semaphore(%run_scoped3A : memref<!tpu.dma_semaphore, #tpu.memory_space<semaphore_mem>>)
      %dma_wait3A_238 = arith.constant 0 : i32
      %dma_wait3A_239 = tpu.memref_slice %arg4[%arg0, %mul3A_232, %dma_wait3A_238] : memref<2x10240x128xf32, #tpu.memory_space<hbm>> -> memref<1x640x128xf32, #tpu.memory_space<hbm>>
      %dma_wait3A_240 = tpu.memref_squeeze %dma_wait3A_239 : memref<1x640x128xf32, #tpu.memory_space<hbm>> -> memref<640x128xf32, #tpu.memory_space<hbm>>
      %dma_wait3A_241 = arith.constant 0 : i32
      %dma_wait3A_242 = tpu.memref_slice %arg8[%mul3A_230, %dma_wait3A_241] : memref<10240x128xf32, #tpu.memory_space<vmem_shared>> -> memref<640x128xf32, #tpu.memory_space<vmem_shared>>
      tpu.wait_dma2 semaphore(%run_scoped3A : memref<!tpu.dma_semaphore, #tpu.memory_space<semaphore_mem>>) src(%dma_wait3A_242 : memref<640x128xf32, #tpu.memory_space<vmem_shared>>) dst(%dma_wait3A_240 : memref<640x128xf32, #tpu.memory_space<hbm>>)
      tpu.yield
    }) : () -> ()
    return
  }
}

#map = affine_map<(d0, d1) -> (0, 0)>
#map1 = affine_map<(d0, d1) -> (0, 0, 0)>
module attributes {stable_mosaic.version = 14 : i64} {
  func.func @_scatter_body(%arg0: i32, %arg1: i32, %arg2: memref<10000x128xf32, #tpu.memory_space<hbm>>, %arg3: memref<32x79x128xi32, #tpu.memory_space<hbm>>, %arg4: memref<32x79x128xi32, #tpu.memory_space<hbm>>, %arg5: memref<2x10240x128xf32, #tpu.memory_space<hbm>>, %arg6: memref<79x128xi32, #tpu.memory_space<vmem>>, %arg7: memref<79x128xi32, #tpu.memory_space<vmem>>, %arg8: memref<128x128xf32, #tpu.memory_space<vmem>>, %arg9: memref<16x128xf32, #tpu.memory_space<vmem>>, %arg10: memref<10240x128xf32, #tpu.memory_space<vmem_shared>>) attributes {dimension_semantics = [#tpu.dimension_semantics<core_parallel>, #tpu.dimension_semantics<subcore_parallel>], iteration_bounds = array<i64: 2, 16>, scalar_prefetch = 0 : i64, scratch_operands = 5 : i64, tpu.core_type = #tpu.core_type<sc_vector_subcore>, window_params = [{transform_indices = #map}, {transform_indices = #map1}, {transform_indices = #map1}, {transform_indices = #map1}]} {
    %mul3A = arith.constant 16 : i32
    %mul3A_0 = arith.muli %arg0, %mul3A : i32
    %add3A = arith.addi %mul3A_0, %arg1 : i32
    %scan3A = arith.constant 0 : i32
    %scan3A_1 = arith.constant 0 : i32
    %scan3A_2 = arith.constant 16 : i32
    %scan3A_3 = arith.addi %scan3A_1, %scan3A_2 : i32
    %scan3A_4 = arith.constant 1 : i32
    %scan3A_5 = scf.for %scan3A_26 = %scan3A_1 to %scan3A_3 step %scan3A_4 iter_args(%scan3A_27 = %scan3A) -> (i32)  : i32 {
      %scan3A_28 = arith.constant 0 : i32
      %scan3A_29 = arith.constant 0 : i32
      %scan3A_30 = arith.constant 8 : i32
      %scan3A_31 = arith.addi %scan3A_29, %scan3A_30 : i32
      %scan3A_32 = arith.constant 1 : i32
      %scan3A_33 = scf.for %scan3A_36 = %scan3A_29 to %scan3A_31 step %scan3A_32 iter_args(%scan3A_37 = %scan3A_28) -> (i32)  : i32 {
        %broadcast_in_dim3A = arith.constant 0.000000e+00 : f32
        %broadcast_in_dim3A_38 = vector.broadcast %broadcast_in_dim3A : f32 to vector<16xf32>
        %mul3A_39 = arith.constant 16 : i32
        %mul3A_40 = arith.muli %scan3A_36, %mul3A_39 : i32
        %swap3A = arith.index_cast %scan3A_26 : i32 to index
        %swap3A_41 = arith.index_cast %mul3A_40 : i32 to index
        %swap3A_42 = tpu.vector_load %arg9[%swap3A, %swap3A_41] {strides = array<i32>} : memref<16x128xf32, #tpu.memory_space<vmem>>, vector<1x16xf32>,
        %swap3A_43 = vector.shape_cast %swap3A_42 : vector<1x16xf32> to vector<16xf32>
        %swap3A_44 = vector.shape_cast %broadcast_in_dim3A_38 : vector<16xf32> to vector<1x16xf32>
        tpu.vector_store %arg9[%swap3A, %swap3A_41], %swap3A_44 {strides = array<i32>} : memref<16x128xf32, #tpu.memory_space<vmem>>, vector<1x16xf32>,
        %scan3A_45 = arith.constant 0 : i32
        scf.yield %scan3A_45 : i32
      }
      %scan3A_34 = arith.constant 8 : i32
      %scan3A_35 = arith.constant 0 : i32
      scf.yield %scan3A_35 : i32
    }
    %scan3A_6 = arith.constant 16 : i32
    %scan3A_7 = arith.constant 0 : i32
    %scan3A_8 = arith.constant 0 : i32
    %scan3A_9 = arith.constant 40 : i32
    %scan3A_10 = arith.addi %scan3A_8, %scan3A_9 : i32
    %scan3A_11 = arith.constant 1 : i32
    %scan3A_12 = scf.for %scan3A_26 = %scan3A_8 to %scan3A_10 step %scan3A_11 iter_args(%scan3A_27 = %scan3A_7) -> (i32)  : i32 {
      %mul3A_28 = arith.constant 640 : i32
      %mul3A_29 = arith.muli %arg1, %mul3A_28 : i32
      %mul3A_30 = arith.constant 16 : i32
      %mul3A_31 = arith.muli %scan3A_26, %mul3A_30 : i32
      %add3A_32 = arith.addi %mul3A_29, %mul3A_31 : i32
      "tpu.region"() ({
        %run_scoped3A = tpu.sem_alloc : memref<!tpu.dma_semaphore, #tpu.memory_space<semaphore_mem>>
        %dma_start3A = arith.constant 0 : i32
        %dma_start3A_34 = tpu.memref_slice %arg10[%add3A_32, %dma_start3A] : memref<10240x128xf32, #tpu.memory_space<vmem_shared>> -> memref<16x128xf32, #tpu.memory_space<vmem_shared>>
        %dma_start3A_35 = arith.constant 0 : i32
        %dma_start3A_36 = tpu.memref_slice %arg10[%add3A_32, %dma_start3A_35] : memref<10240x128xf32, #tpu.memory_space<vmem_shared>> -> memref<16x128xf32, #tpu.memory_space<vmem_shared>>
        tpu.enqueue_dma source(%arg9 : memref<16x128xf32, #tpu.memory_space<vmem>>) target(%dma_start3A_36 : memref<16x128xf32, #tpu.memory_space<vmem_shared>>) target_semaphore(%run_scoped3A : memref<!tpu.dma_semaphore, #tpu.memory_space<semaphore_mem>>)
        %dma_wait3A = arith.constant 0 : i32
        %dma_wait3A_37 = tpu.memref_slice %arg10[%add3A_32, %dma_wait3A] : memref<10240x128xf32, #tpu.memory_space<vmem_shared>> -> memref<16x128xf32, #tpu.memory_space<vmem_shared>>
        %dma_wait3A_38 = arith.constant 0 : i32
        %dma_wait3A_39 = tpu.memref_slice %arg10[%add3A_32, %dma_wait3A_38] : memref<10240x128xf32, #tpu.memory_space<vmem_shared>> -> memref<16x128xf32, #tpu.memory_space<vmem_shared>>
        tpu.wait_dma2 semaphore(%run_scoped3A : memref<!tpu.dma_semaphore, #tpu.memory_space<semaphore_mem>>) src(%arg9 : memref<16x128xf32, #tpu.memory_space<vmem>>) dst(%dma_wait3A_39 : memref<16x128xf32, #tpu.memory_space<vmem_shared>>)
        tpu.yield
      }) : () -> ()
      %scan3A_33 = arith.constant 0 : i32
      scf.yield %scan3A_33 : i32
    }
    %scan3A_13 = arith.constant 40 : i32
    %barrier3A = arith.constant 0 : index
    tpu.barrier barrier_id(%barrier3A)
    "tpu.region"() ({
      %run_scoped3A = tpu.sem_alloc : memref<!tpu.dma_semaphore, #tpu.memory_space<semaphore_mem>>
      %dma_start3A = arith.constant 0 : i32
      %dma_start3A_26 = arith.constant 0 : i32
      %dma_start3A_27 = tpu.memref_slice %arg3[%add3A, %dma_start3A, %dma_start3A_26] : memref<32x79x128xi32, #tpu.memory_space<hbm>> -> memref<1x79x128xi32, #tpu.memory_space<hbm>>
      %dma_start3A_28 = tpu.memref_squeeze %dma_start3A_27 : memref<1x79x128xi32, #tpu.memory_space<hbm>> -> memref<79x128xi32, #tpu.memory_space<hbm>>
      %dma_start3A_29 = arith.constant 0 : i32
      %dma_start3A_30 = arith.constant 0 : i32
      %dma_start3A_31 = tpu.memref_slice %arg3[%add3A, %dma_start3A_29, %dma_start3A_30] : memref<32x79x128xi32, #tpu.memory_space<hbm>> -> memref<1x79x128xi32, #tpu.memory_space<hbm>>
      %dma_start3A_32 = tpu.memref_squeeze %dma_start3A_31 : memref<1x79x128xi32, #tpu.memory_space<hbm>> -> memref<79x128xi32, #tpu.memory_space<hbm>>
      tpu.enqueue_dma source(%dma_start3A_32 : memref<79x128xi32, #tpu.memory_space<hbm>>) target(%arg6 : memref<79x128xi32, #tpu.memory_space<vmem>>) target_semaphore(%run_scoped3A : memref<!tpu.dma_semaphore, #tpu.memory_space<semaphore_mem>>)
      %dma_wait3A = arith.constant 0 : i32
      %dma_wait3A_33 = arith.constant 0 : i32
      %dma_wait3A_34 = tpu.memref_slice %arg3[%add3A, %dma_wait3A, %dma_wait3A_33] : memref<32x79x128xi32, #tpu.memory_space<hbm>> -> memref<1x79x128xi32, #tpu.memory_space<hbm>>
      %dma_wait3A_35 = tpu.memref_squeeze %dma_wait3A_34 : memref<1x79x128xi32, #tpu.memory_space<hbm>> -> memref<79x128xi32, #tpu.memory_space<hbm>>
      %dma_wait3A_36 = arith.constant 0 : i32
      %dma_wait3A_37 = arith.constant 0 : i32
      %dma_wait3A_38 = tpu.memref_slice %arg3[%add3A, %dma_wait3A_36, %dma_wait3A_37] : memref<32x79x128xi32, #tpu.memory_space<hbm>> -> memref<1x79x128xi32, #tpu.memory_space<hbm>>
      %dma_wait3A_39 = tpu.memref_squeeze %dma_wait3A_38 : memref<1x79x128xi32, #tpu.memory_space<hbm>> -> memref<79x128xi32, #tpu.memory_space<hbm>>
      tpu.wait_dma2 semaphore(%run_scoped3A : memref<!tpu.dma_semaphore, #tpu.memory_space<semaphore_mem>>) src(%dma_wait3A_39 : memref<79x128xi32, #tpu.memory_space<hbm>>) dst(%arg6 : memref<79x128xi32, #tpu.memory_space<vmem>>)
      tpu.yield
    }) : () -> ()
    "tpu.region"() ({
      %run_scoped3A = tpu.sem_alloc : memref<!tpu.dma_semaphore, #tpu.memory_space<semaphore_mem>>
      %dma_start3A = arith.constant 0 : i32
      %dma_start3A_26 = arith.constant 0 : i32
      %dma_start3A_27 = tpu.memref_slice %arg4[%add3A, %dma_start3A, %dma_start3A_26] : memref<32x79x128xi32, #tpu.memory_space<hbm>> -> memref<1x79x128xi32, #tpu.memory_space<hbm>>
      %dma_start3A_28 = tpu.memref_squeeze %dma_start3A_27 : memref<1x79x128xi32, #tpu.memory_space<hbm>> -> memref<79x128xi32, #tpu.memory_space<hbm>>
      %dma_start3A_29 = arith.constant 0 : i32
      %dma_start3A_30 = arith.constant 0 : i32
      %dma_start3A_31 = tpu.memref_slice %arg4[%add3A, %dma_start3A_29, %dma_start3A_30] : memref<32x79x128xi32, #tpu.memory_space<hbm>> -> memref<1x79x128xi32, #tpu.memory_space<hbm>>
      %dma_start3A_32 = tpu.memref_squeeze %dma_start3A_31 : memref<1x79x128xi32, #tpu.memory_space<hbm>> -> memref<79x128xi32, #tpu.memory_space<hbm>>
      tpu.enqueue_dma source(%dma_start3A_32 : memref<79x128xi32, #tpu.memory_space<hbm>>) target(%arg7 : memref<79x128xi32, #tpu.memory_space<vmem>>) target_semaphore(%run_scoped3A : memref<!tpu.dma_semaphore, #tpu.memory_space<semaphore_mem>>)
      %dma_wait3A = arith.constant 0 : i32
      %dma_wait3A_33 = arith.constant 0 : i32
      %dma_wait3A_34 = tpu.memref_slice %arg4[%add3A, %dma_wait3A, %dma_wait3A_33] : memref<32x79x128xi32, #tpu.memory_space<hbm>> -> memref<1x79x128xi32, #tpu.memory_space<hbm>>
      %dma_wait3A_35 = tpu.memref_squeeze %dma_wait3A_34 : memref<1x79x128xi32, #tpu.memory_space<hbm>> -> memref<79x128xi32, #tpu.memory_space<hbm>>
      %dma_wait3A_36 = arith.constant 0 : i32
      %dma_wait3A_37 = arith.constant 0 : i32
      %dma_wait3A_38 = tpu.memref_slice %arg4[%add3A, %dma_wait3A_36, %dma_wait3A_37] : memref<32x79x128xi32, #tpu.memory_space<hbm>> -> memref<1x79x128xi32, #tpu.memory_space<hbm>>
      %dma_wait3A_39 = tpu.memref_squeeze %dma_wait3A_38 : memref<1x79x128xi32, #tpu.memory_space<hbm>> -> memref<79x128xi32, #tpu.memory_space<hbm>>
      tpu.wait_dma2 semaphore(%run_scoped3A : memref<!tpu.dma_semaphore, #tpu.memory_space<semaphore_mem>>) src(%dma_wait3A_39 : memref<79x128xi32, #tpu.memory_space<hbm>>) dst(%arg7 : memref<79x128xi32, #tpu.memory_space<vmem>>)
      tpu.yield
    }) : () -> ()
    %scan3A_14 = arith.constant 0 : i32
    %scan3A_15 = arith.constant 0 : i32
    %scan3A_16 = arith.constant 79 : i32
    %scan3A_17 = arith.addi %scan3A_15, %scan3A_16 : i32
    %scan3A_18 = arith.constant 1 : i32
    %scan3A_19 = scf.for %scan3A_26 = %scan3A_15 to %scan3A_17 step %scan3A_18 iter_args(%scan3A_27 = %scan3A_14) -> (i32)  : i32 {
      "tpu.region"() ({
        %run_scoped3A = tpu.sem_alloc : memref<!tpu.dma_semaphore, #tpu.memory_space<semaphore_mem>>
        %dma_start3A = arith.constant 0 : i32
        %dma_start3A_29 = tpu.memref_slice %arg6[%scan3A_26, %dma_start3A] : memref<79x128xi32, #tpu.memory_space<vmem>> -> memref<1x128xi32, #tpu.memory_space<vmem>>
        %dma_start3A_30 = tpu.memref_squeeze %dma_start3A_29 : memref<1x128xi32, #tpu.memory_space<vmem>> -> memref<128xi32, #tpu.memory_space<vmem>>
        %dma_start3A_31 = arith.constant 0 : i32
        %dma_start3A_32 = arith.constant 0 : i32
        %dma_start3A_33 = tpu.memref_slice %arg2[%dma_start3A_31, %dma_start3A_32] : memref<10000x128xf32, #tpu.memory_space<hbm>> -> memref<10000x128xf32, #tpu.memory_space<hbm>>
        tpu.enqueue_indirect_dma source(%dma_start3A_33 : memref<10000x128xf32, #tpu.memory_space<hbm>>) target(%arg8 : memref<128x128xf32, #tpu.memory_space<vmem>>) offsets(%dma_start3A_30 : memref<128xi32, #tpu.memory_space<vmem>>) semaphore(%run_scoped3A : memref<!tpu.dma_semaphore, #tpu.memory_space<semaphore_mem>>)
        %dma_wait3A = arith.constant 0 : i32
        %dma_wait3A_34 = tpu.memref_slice %arg6[%scan3A_26, %dma_wait3A] : memref<79x128xi32, #tpu.memory_space<vmem>> -> memref<1x128xi32, #tpu.memory_space<vmem>>
        %dma_wait3A_35 = tpu.memref_squeeze %dma_wait3A_34 : memref<1x128xi32, #tpu.memory_space<vmem>> -> memref<128xi32, #tpu.memory_space<vmem>>
        %dma_wait3A_36 = arith.constant 0 : i32
        %dma_wait3A_37 = arith.constant 0 : i32
        %dma_wait3A_38 = tpu.memref_slice %arg2[%dma_wait3A_36, %dma_wait3A_37] : memref<10000x128xf32, #tpu.memory_space<hbm>> -> memref<10000x128xf32, #tpu.memory_space<hbm>>
        tpu.wait_indirect_dma semaphore(%run_scoped3A : memref<!tpu.dma_semaphore, #tpu.memory_space<semaphore_mem>>) src(%dma_wait3A_38 : memref<10000x128xf32, #tpu.memory_space<hbm>>) dst(%arg8 : memref<128x128xf32, #tpu.memory_space<vmem>>)
        tpu.yield
      }) : () -> ()
      "tpu.region"() ({
        %run_scoped3A = tpu.sem_alloc : memref<!tpu.dma_semaphore, #tpu.memory_space<semaphore_mem>>
        %dma_start3A = arith.constant 0 : i32
        %dma_start3A_29 = tpu.memref_slice %arg7[%scan3A_26, %dma_start3A] : memref<79x128xi32, #tpu.memory_space<vmem>> -> memref<1x128xi32, #tpu.memory_space<vmem>>
        %dma_start3A_30 = tpu.memref_squeeze %dma_start3A_29 : memref<1x128xi32, #tpu.memory_space<vmem>> -> memref<128xi32, #tpu.memory_space<vmem>>
        %dma_start3A_31 = arith.constant 0 : i32
        %dma_start3A_32 = arith.constant 0 : i32
        %dma_start3A_33 = tpu.memref_slice %arg10[%dma_start3A_31, %dma_start3A_32] : memref<10240x128xf32, #tpu.memory_space<vmem_shared>> -> memref<10240x128xf32, #tpu.memory_space<vmem_shared>>
        tpu.enqueue_indirect_dma source(%arg8 : memref<128x128xf32, #tpu.memory_space<vmem>>) target(%dma_start3A_33 : memref<10240x128xf32, #tpu.memory_space<vmem_shared>>) offsets(%dma_start3A_30 : memref<128xi32, #tpu.memory_space<vmem>>) semaphore(%run_scoped3A : memref<!tpu.dma_semaphore, #tpu.memory_space<semaphore_mem>>) {add = true}
        %dma_wait3A = arith.constant 0 : i32
        %dma_wait3A_34 = tpu.memref_slice %arg7[%scan3A_26, %dma_wait3A] : memref<79x128xi32, #tpu.memory_space<vmem>> -> memref<1x128xi32, #tpu.memory_space<vmem>>
        %dma_wait3A_35 = tpu.memref_squeeze %dma_wait3A_34 : memref<1x128xi32, #tpu.memory_space<vmem>> -> memref<128xi32, #tpu.memory_space<vmem>>
        %dma_wait3A_36 = arith.constant 0 : i32
        %dma_wait3A_37 = arith.constant 0 : i32
        %dma_wait3A_38 = tpu.memref_slice %arg10[%dma_wait3A_36, %dma_wait3A_37] : memref<10240x128xf32, #tpu.memory_space<vmem_shared>> -> memref<10240x128xf32, #tpu.memory_space<vmem_shared>>
        tpu.wait_indirect_dma semaphore(%run_scoped3A : memref<!tpu.dma_semaphore, #tpu.memory_space<semaphore_mem>>) src(%arg8 : memref<128x128xf32, #tpu.memory_space<vmem>>) dst(%dma_wait3A_38 : memref<10240x128xf32, #tpu.memory_space<vmem_shared>>)
        tpu.yield
      }) : () -> ()
      %scan3A_28 = arith.constant 0 : i32
      scf.yield %scan3A_28 : i32
    }
    %scan3A_20 = arith.constant 79 : i32
    %barrier3A_21 = arith.constant 0 : index
    tpu.barrier barrier_id(%barrier3A_21)
    %mul3A_22 = arith.constant 640 : i32
    %mul3A_23 = arith.muli %arg1, %mul3A_22 : i32
    %mul3A_24 = arith.constant 640 : i32
    %mul3A_25 = arith.muli %arg1, %mul3A_24 : i32
    "tpu.region"() ({
      %run_scoped3A = tpu.sem_alloc : memref<!tpu.dma_semaphore, #tpu.memory_space<semaphore_mem>>
      %dma_start3A = arith.constant 0 : i32
      %dma_start3A_26 = tpu.memref_slice %arg5[%arg0, %mul3A_25, %dma_start3A] : memref<2x10240x128xf32, #tpu.memory_space<hbm>> -> memref<1x640x128xf32, #tpu.memory_space<hbm>>
      %dma_start3A_27 = tpu.memref_squeeze %dma_start3A_26 : memref<1x640x128xf32, #tpu.memory_space<hbm>> -> memref<640x128xf32, #tpu.memory_space<hbm>>
      %dma_start3A_28 = arith.constant 0 : i32
      %dma_start3A_29 = tpu.memref_slice %arg10[%mul3A_23, %dma_start3A_28] : memref<10240x128xf32, #tpu.memory_space<vmem_shared>> -> memref<640x128xf32, #tpu.memory_space<vmem_shared>>
      tpu.enqueue_dma source(%dma_start3A_29 : memref<640x128xf32, #tpu.memory_space<vmem_shared>>) target(%dma_start3A_27 : memref<640x128xf32, #tpu.memory_space<hbm>>) target_semaphore(%run_scoped3A : memref<!tpu.dma_semaphore, #tpu.memory_space<semaphore_mem>>)
      %dma_wait3A = arith.constant 0 : i32
      %dma_wait3A_30 = tpu.memref_slice %arg5[%arg0, %mul3A_25, %dma_wait3A] : memref<2x10240x128xf32, #tpu.memory_space<hbm>> -> memref<1x640x128xf32, #tpu.memory_space<hbm>>
      %dma_wait3A_31 = tpu.memref_squeeze %dma_wait3A_30 : memref<1x640x128xf32, #tpu.memory_space<hbm>> -> memref<640x128xf32, #tpu.memory_space<hbm>>
      %dma_wait3A_32 = arith.constant 0 : i32
      %dma_wait3A_33 = tpu.memref_slice %arg10[%mul3A_23, %dma_wait3A_32] : memref<10240x128xf32, #tpu.memory_space<vmem_shared>> -> memref<640x128xf32, #tpu.memory_space<vmem_shared>>
      tpu.wait_dma2 semaphore(%run_scoped3A : memref<!tpu.dma_semaphore, #tpu.memory_space<semaphore_mem>>) src(%dma_wait3A_33 : memref<640x128xf32, #tpu.memory_space<vmem_shared>>) dst(%dma_wait3A_31 : memref<640x128xf32, #tpu.memory_space<hbm>>)
      tpu.yield
    }) : () -> ()
    return
  }
}

module attributes {stable_mosaic.version = 14 : i64} {
  func.func @_pre_body(%arg0: i32, %arg1: memref<1000x128xf32, #tpu.memory_space<vmem>>, %arg2: memref<128x128xf32, #tpu.memory_space<vmem>>, %arg3: memref<2x1000x128xf32, #tpu.memory_space<vmem>>, %arg4: memref<1000x128xf32, #tpu.memory_space<vmem>>, %arg5: memref<1000x1xf32, #tpu.memory_space<vmem>>) attributes {dimension_semantics = [#tpu.dimension_semantics<arbitrary>], iteration_bounds = array<i64: 10>, scalar_prefetch = 0 : i64, scratch_operands = 0 : i64, tpu.core_type = #tpu.core_type<tc>, window_params = [{transform_indices = @transform_0, window_bounds = array<i64: 1000, 128>}, {pipeline_mode = #tpu.pipeline_mode<synchronous>, transform_indices = @transform_1, window_bounds = array<i64: 128, 128>}, {transform_indices = @transform_2, window_bounds = array<i64: 2, 1000, 128>}, {transform_indices = @transform_3, window_bounds = array<i64: 1000, 128>}, {transform_indices = @transform_4, window_bounds = array<i64: 1000, 1>}]} {
    %get3A = arith.constant 0 : index
    %get3A_0 = arith.constant 0 : index
    %get3A_1 = arith.constant 0 : index
    %get3A_2 = vector.load %arg3[%get3A, %get3A_0, %get3A_1] : memref<2x1000x128xf32, #tpu.memory_space<vmem>>, vector<2x1000x128xf32>
    %slice3A = vector.extract_strided_slice %get3A_2 {offsets = [0, 0, 0], sizes = [1, 1000, 1], strides = [1, 1, 1]} : vector<2x1000x128xf32> to vector<1x1000x1xf32>
    %squeeze3A = vector.shape_cast %slice3A : vector<1x1000x1xf32> to vector<1000x1xf32>
    %slice3A_3 = vector.extract_strided_slice %get3A_2 {offsets = [1, 0, 0], sizes = [1, 1000, 1], strides = [1, 1, 1]} : vector<2x1000x128xf32> to vector<1x1000x1xf32>
    %squeeze3A_4 = vector.shape_cast %slice3A_3 : vector<1x1000x1xf32> to vector<1000x1xf32>
    %add3A = arith.addf %squeeze3A, %squeeze3A_4 : vector<1000x1xf32>
    %add3A_5 = arith.constant 1.000000e+00 : f32
    %add3A_6 = vector.broadcast %add3A_5 : f32 to vector<1000x1xf32>
    %add3A_7 = arith.addf %add3A, %add3A_6 : vector<1000x1xf32>
    %sqrt3A = math.sqrt %add3A_7 : vector<1000x1xf32>
    %div3A = arith.constant 1.000000e+00 : f32
    %div3A_8 = vector.broadcast %div3A : f32 to vector<1000x1xf32>
    %div3A_9 = arith.divf %div3A_8, %sqrt3A : vector<1000x1xf32>
    %get3A_10 = arith.constant 0 : index
    %get3A_11 = arith.constant 0 : index
    %get3A_12 = vector.load %arg1[%get3A_10, %get3A_11] : memref<1000x128xf32, #tpu.memory_space<vmem>>, vector<1000x128xf32>
    %get3A_13 = arith.constant 0 : index
    %get3A_14 = arith.constant 0 : index
    %get3A_15 = vector.load %arg2[%get3A_13, %get3A_14] : memref<128x128xf32, #tpu.memory_space<vmem>>, vector<128x128xf32>
    %dot_general3A = arith.constant dense<0.000000e+00> : vector<1000x128xf32>
    %dot_general3A_16 = tpu.matmul %get3A_12, %get3A_15, %dot_general3A {dimension_numbers = #tpu.dot_dimension_numbers<[1], [0], [0], [1], [0, 0, 1, 1], [], []>, transpose_lhs_hint = false} : vector<1000x128xf32>, vector<128x128xf32>, vector<1000x128xf32> -> vector<1000x128xf32>
    %mul3A = vector.broadcast %div3A_9 : vector<1000x1xf32> to vector<1000x128xf32>
    %mul3A_17 = arith.mulf %dot_general3A_16, %mul3A : vector<1000x128xf32>
    %swap3A = arith.constant 0 : index
    %swap3A_18 = arith.constant 0 : index
    %swap3A_19 = vector.load %arg4[%swap3A, %swap3A_18] : memref<1000x128xf32, #tpu.memory_space<vmem>>, vector<1000x128xf32>
    tpu.vector_store %arg4[%swap3A, %swap3A_18], %mul3A_17 {strides = array<i32>} : memref<1000x128xf32, #tpu.memory_space<vmem>>, vector<1000x128xf32>,
    %swap3A_20 = arith.constant 0 : index
    %swap3A_21 = arith.constant 0 : index
    %swap3A_22 = vector.load %arg5[%swap3A_20, %swap3A_21] : memref<1000x1xf32, #tpu.memory_space<vmem>>, vector<1000x1xf32>
    tpu.vector_store %arg5[%swap3A_20, %swap3A_21], %div3A_9 {strides = array<i32>} : memref<1000x1xf32, #tpu.memory_space<vmem>>, vector<1000x1xf32>,
    return
  }
  func.func @transform_0(%arg0: i32) -> (i32, i32) {
    %c0_i32 = arith.constant 0 : i32
    %c0_i32_0 = arith.constant 0 : i32
    return %arg0, %c0_i32 : i32, i32
  }
  func.func @transform_1(%arg0: i32) -> (i32, i32) {
    %c0_i32 = arith.constant 0 : i32
    %c0_i32_0 = arith.constant 0 : i32
    %c0_i32_1 = arith.constant 0 : i32
    return %c0_i32, %c0_i32_0 : i32, i32
  }
  func.func @transform_2(%arg0: i32) -> (i32, i32, i32) {
    %c0_i32 = arith.constant 0 : i32
    %c0_i32_0 = arith.constant 0 : i32
    %c0_i32_1 = arith.constant 0 : i32
    return %c0_i32, %arg0, %c0_i32_0 : i32, i32, i32
  }
  func.func @transform_3(%arg0: i32) -> (i32, i32) {
    %c0_i32 = arith.constant 0 : i32
    %c0_i32_0 = arith.constant 0 : i32
    return %arg0, %c0_i32 : i32, i32
  }
  func.func @transform_4(%arg0: i32) -> (i32, i32) {
    %c0_i32 = arith.constant 0 : i32
    %c0_i32_0 = arith.constant 0 : i32
    return %arg0, %c0_i32 : i32, i32
  }
}

module attributes {stable_mosaic.version = 14 : i64} {
  func.func @_post_body(%arg0: i32, %arg1: memref<2x1000x128xf32, #tpu.memory_space<vmem>>, %arg2: memref<1000x128xf32, #tpu.memory_space<vmem>>, %arg3: memref<1000x1xf32, #tpu.memory_space<vmem>>, %arg4: memref<1000x128xf32, #tpu.memory_space<vmem>>, %arg5: memref<1x128xf32, #tpu.memory_space<vmem>>, %arg6: memref<128x128xf32, #tpu.memory_space<vmem>>, %arg7: memref<1x128xf32, #tpu.memory_space<vmem>>, %arg8: memref<128x128xf32, #tpu.memory_space<vmem>>, %arg9: memref<1x128xf32, #tpu.memory_space<vmem>>, %arg10: memref<128x1xf32, #tpu.memory_space<vmem>>, %arg11: memref<1x1xf32, #tpu.memory_space<vmem>>, %arg12: memref<1000x1xf32, #tpu.memory_space<vmem>>) attributes {dimension_semantics = [#tpu.dimension_semantics<arbitrary>], iteration_bounds = array<i64: 10>, scalar_prefetch = 0 : i64, scratch_operands = 0 : i64, tpu.core_type = #tpu.core_type<tc>, window_params = [{transform_indices = @transform_0, window_bounds = array<i64: 2, 1000, 128>}, {transform_indices = @transform_1, window_bounds = array<i64: 1000, 128>}, {transform_indices = @transform_2, window_bounds = array<i64: 1000, 1>}, {transform_indices = @transform_3, window_bounds = array<i64: 1000, 128>}, {pipeline_mode = #tpu.pipeline_mode<synchronous>, transform_indices = @transform_4, window_bounds = array<i64: 1, 128>}, {pipeline_mode = #tpu.pipeline_mode<synchronous>, transform_indices = @transform_5, window_bounds = array<i64: 128, 128>}, {pipeline_mode = #tpu.pipeline_mode<synchronous>, transform_indices = @transform_6, window_bounds = array<i64: 1, 128>}, {pipeline_mode = #tpu.pipeline_mode<synchronous>, transform_indices = @transform_7, window_bounds = array<i64: 128, 128>}, {pipeline_mode = #tpu.pipeline_mode<synchronous>, transform_indices = @transform_8, window_bounds = array<i64: 1, 128>}, {pipeline_mode = #tpu.pipeline_mode<synchronous>, transform_indices = @transform_9, window_bounds = array<i64: 128, 1>}, {pipeline_mode = #tpu.pipeline_mode<synchronous>, transform_indices = @transform_10, window_bounds = array<i64: 1, 1>}, {transform_indices = @transform_11, window_bounds = array<i64: 1000, 1>}]} {
    %get3A = arith.constant 0 : index
    %get3A_0 = arith.constant 0 : index
    %get3A_1 = arith.constant 0 : index
    %get3A_2 = vector.load %arg1[%get3A, %get3A_0, %get3A_1] : memref<2x1000x128xf32, #tpu.memory_space<vmem>>, vector<2x1000x128xf32>
    %get3A_3 = arith.constant 0 : index
    %get3A_4 = arith.constant 0 : index
    %get3A_5 = vector.load %arg3[%get3A_3, %get3A_4] : memref<1000x1xf32, #tpu.memory_space<vmem>>, vector<1000x1xf32>
    %slice3A = vector.extract_strided_slice %get3A_2 {offsets = [0, 0, 0], sizes = [1, 1000, 128], strides = [1, 1, 1]} : vector<2x1000x128xf32> to vector<1x1000x128xf32>
    %squeeze3A = vector.shape_cast %slice3A : vector<1x1000x128xf32> to vector<1000x128xf32>
    %slice3A_6 = vector.extract_strided_slice %get3A_2 {offsets = [1, 0, 0], sizes = [1, 1000, 128], strides = [1, 1, 1]} : vector<2x1000x128xf32> to vector<1x1000x128xf32>
    %squeeze3A_7 = vector.shape_cast %slice3A_6 : vector<1x1000x128xf32> to vector<1000x128xf32>
    %add3A = arith.addf %squeeze3A, %squeeze3A_7 : vector<1000x128xf32>
    %get3A_8 = arith.constant 0 : index
    %get3A_9 = arith.constant 0 : index
    %get3A_10 = vector.load %arg2[%get3A_8, %get3A_9] : memref<1000x128xf32, #tpu.memory_space<vmem>>, vector<1000x128xf32>
    %add3A_11 = arith.addf %add3A, %get3A_10 : vector<1000x128xf32>
    %mul3A = vector.broadcast %get3A_5 : vector<1000x1xf32> to vector<1000x128xf32>
    %mul3A_12 = arith.mulf %mul3A, %add3A_11 : vector<1000x128xf32>
    %get3A_13 = arith.constant 0 : index
    %get3A_14 = arith.constant 0 : index
    %get3A_15 = vector.load %arg5[%get3A_13, %get3A_14] : memref<1x128xf32, #tpu.memory_space<vmem>>, vector<1x128xf32>
    %add3A_16 = vector.broadcast %get3A_15 : vector<1x128xf32> to vector<1000x128xf32>
    %add3A_17 = arith.addf %mul3A_12, %add3A_16 : vector<1000x128xf32>
    %max3A = arith.constant 0.000000e+00 : f32
    %max3A_18 = vector.broadcast %max3A : f32 to vector<1000x128xf32>
    %max3A_19 = arith.maximumf %add3A_17, %max3A_18 : vector<1000x128xf32>
    %get3A_20 = arith.constant 0 : index
    %get3A_21 = arith.constant 0 : index
    %get3A_22 = vector.load %arg4[%get3A_20, %get3A_21] : memref<1000x128xf32, #tpu.memory_space<vmem>>, vector<1000x128xf32>
    %add3A_23 = arith.addf %max3A_19, %get3A_22 : vector<1000x128xf32>
    %get3A_24 = arith.constant 0 : index
    %get3A_25 = arith.constant 0 : index
    %get3A_26 = vector.load %arg6[%get3A_24, %get3A_25] : memref<128x128xf32, #tpu.memory_space<vmem>>, vector<128x128xf32>
    %dot_general3A = arith.constant dense<0.000000e+00> : vector<1000x128xf32>
    %dot_general3A_27 = tpu.matmul %add3A_23, %get3A_26, %dot_general3A {dimension_numbers = #tpu.dot_dimension_numbers<[1], [0], [0], [1], [0, 0, 1, 1], [], []>, transpose_lhs_hint = false} : vector<1000x128xf32>, vector<128x128xf32>, vector<1000x128xf32> -> vector<1000x128xf32>
    %get3A_28 = arith.constant 0 : index
    %get3A_29 = arith.constant 0 : index
    %get3A_30 = vector.load %arg7[%get3A_28, %get3A_29] : memref<1x128xf32, #tpu.memory_space<vmem>>, vector<1x128xf32>
    %add3A_31 = vector.broadcast %get3A_30 : vector<1x128xf32> to vector<1000x128xf32>
    %add3A_32 = arith.addf %dot_general3A_27, %add3A_31 : vector<1000x128xf32>
    %ge3A = arith.constant 0.000000e+00 : f32
    %ge3A_33 = vector.broadcast %ge3A : f32 to vector<1000x128xf32>
    %ge3A_34 = arith.cmpf oge, %add3A_32, %ge3A_33 : vector<1000x128xf32>
    %mul3A_35 = arith.constant 0.00999999977 : f32
    %mul3A_36 = vector.broadcast %mul3A_35 : f32 to vector<1000x128xf32>
    %mul3A_37 = arith.mulf %mul3A_36, %add3A_32 : vector<1000x128xf32>
    %select_n3A = arith.select %ge3A_34, %add3A_32, %mul3A_37 : vector<1000x128xi1>, vector<1000x128xf32>
    %get3A_38 = arith.constant 0 : index
    %get3A_39 = arith.constant 0 : index
    %get3A_40 = vector.load %arg8[%get3A_38, %get3A_39] : memref<128x128xf32, #tpu.memory_space<vmem>>, vector<128x128xf32>
    %dot_general3A_41 = arith.constant dense<0.000000e+00> : vector<1000x128xf32>
    %dot_general3A_42 = tpu.matmul %select_n3A, %get3A_40, %dot_general3A_41 {dimension_numbers = #tpu.dot_dimension_numbers<[1], [0], [0], [1], [0, 0, 1, 1], [], []>, transpose_lhs_hint = false} : vector<1000x128xf32>, vector<128x128xf32>, vector<1000x128xf32> -> vector<1000x128xf32>
    %get3A_43 = arith.constant 0 : index
    %get3A_44 = arith.constant 0 : index
    %get3A_45 = vector.load %arg9[%get3A_43, %get3A_44] : memref<1x128xf32, #tpu.memory_space<vmem>>, vector<1x128xf32>
    %add3A_46 = vector.broadcast %get3A_45 : vector<1x128xf32> to vector<1000x128xf32>
    %add3A_47 = arith.addf %dot_general3A_42, %add3A_46 : vector<1000x128xf32>
    %ge3A_48 = arith.constant 0.000000e+00 : f32
    %ge3A_49 = vector.broadcast %ge3A_48 : f32 to vector<1000x128xf32>
    %ge3A_50 = arith.cmpf oge, %add3A_47, %ge3A_49 : vector<1000x128xf32>
    %mul3A_51 = arith.constant 0.00999999977 : f32
    %mul3A_52 = vector.broadcast %mul3A_51 : f32 to vector<1000x128xf32>
    %mul3A_53 = arith.mulf %mul3A_52, %add3A_47 : vector<1000x128xf32>
    %select_n3A_54 = arith.select %ge3A_50, %add3A_47, %mul3A_53 : vector<1000x128xi1>, vector<1000x128xf32>
    %get3A_55 = arith.constant 0 : index
    %get3A_56 = arith.constant 0 : index
    %get3A_57 = vector.load %arg10[%get3A_55, %get3A_56] : memref<128x1xf32, #tpu.memory_space<vmem>>, vector<128x1xf32>
    %dot_general3A_58 = arith.constant dense<0.000000e+00> : vector<1000x1xf32>
    %dot_general3A_59 = tpu.matmul %select_n3A_54, %get3A_57, %dot_general3A_58 {dimension_numbers = #tpu.dot_dimension_numbers<[1], [0], [0], [1], [0, 0, 1, 1], [], []>, transpose_lhs_hint = false} : vector<1000x128xf32>, vector<128x1xf32>, vector<1000x1xf32> -> vector<1000x1xf32>
    %get3A_60 = arith.constant 0 : index
    %get3A_61 = arith.constant 0 : index
    %get3A_62 = vector.load %arg11[%get3A_60, %get3A_61] : memref<1x1xf32, #tpu.memory_space<vmem>>, vector<1x1xf32>
    %add3A_63 = vector.broadcast %get3A_62 : vector<1x1xf32> to vector<1000x1xf32>
    %add3A_64 = arith.addf %dot_general3A_59, %add3A_63 : vector<1000x1xf32>
    %custom_jvp_call3A = arith.constant 0.000000e+00 : f32
    %max3A_65 = vector.broadcast %custom_jvp_call3A : f32 to vector<1000x1xf32>
    %max3A_66 = arith.maximumf %add3A_64, %max3A_65 : vector<1000x1xf32>
    %sub3A = vector.broadcast %custom_jvp_call3A : f32 to vector<1000x1xf32>
    %sub3A_67 = arith.subf %add3A_64, %sub3A : vector<1000x1xf32>
    %ne3A = arith.cmpf one, %sub3A_67, %sub3A_67 : vector<1000x1xf32>
    %add3A_68 = vector.broadcast %custom_jvp_call3A : f32 to vector<1000x1xf32>
    %add3A_69 = arith.addf %add3A_64, %add3A_68 : vector<1000x1xf32>
    %abs3A = math.absf %sub3A_67 : vector<1000x1xf32>
    %neg3A = arith.constant 0.000000e+00 : f32
    %neg3A_70 = vector.broadcast %neg3A : f32 to vector<1000x1xf32>
    %neg3A_71 = arith.subf %neg3A_70, %abs3A : vector<1000x1xf32>
    %exp3A = math.exp %neg3A_71 : vector<1000x1xf32>
    %log1p3A = math.log1p %exp3A : vector<1000x1xf32>
    %add3A_72 = arith.addf %max3A_66, %log1p3A : vector<1000x1xf32>
    %select_n3A_73 = arith.select %ne3A, %add3A_69, %add3A_72 : vector<1000x1xi1>, vector<1000x1xf32>
    %swap3A = arith.constant 0 : index
    %swap3A_74 = arith.constant 0 : index
    %swap3A_75 = vector.load %arg12[%swap3A, %swap3A_74] : memref<1000x1xf32, #tpu.memory_space<vmem>>, vector<1000x1xf32>
    tpu.vector_store %arg12[%swap3A, %swap3A_74], %select_n3A_73 {strides = array<i32>} : memref<1000x1xf32, #tpu.memory_space<vmem>>, vector<1000x1xf32>,
    return
  }
  func.func @transform_0(%arg0: i32) -> (i32, i32, i32) {
    %c0_i32 = arith.constant 0 : i32
    %c0_i32_0 = arith.constant 0 : i32
    %c0_i32_1 = arith.constant 0 : i32
    return %c0_i32, %arg0, %c0_i32_0 : i32, i32, i32
  }
  func.func @transform_1(%arg0: i32) -> (i32, i32) {
    %c0_i32 = arith.constant 0 : i32
    %c0_i32_0 = arith.constant 0 : i32
    return %arg0, %c0_i32 : i32, i32
  }
  func.func @transform_2(%arg0: i32) -> (i32, i32) {
    %c0_i32 = arith.constant 0 : i32
    %c0_i32_0 = arith.constant 0 : i32
    return %arg0, %c0_i32 : i32, i32
  }
  func.func @transform_3(%arg0: i32) -> (i32, i32) {
    %c0_i32 = arith.constant 0 : i32
    %c0_i32_0 = arith.constant 0 : i32
    return %arg0, %c0_i32 : i32, i32
  }
  func.func @transform_4(%arg0: i32) -> (i32, i32) {
    %c0_i32 = arith.constant 0 : i32
    %c0_i32_0 = arith.constant 0 : i32
    %c0_i32_1 = arith.constant 0 : i32
    return %c0_i32, %c0_i32_0 : i32, i32
  }
  func.func @transform_5(%arg0: i32) -> (i32, i32) {
    %c0_i32 = arith.constant 0 : i32
    %c0_i32_0 = arith.constant 0 : i32
    %c0_i32_1 = arith.constant 0 : i32
    return %c0_i32, %c0_i32_0 : i32, i32
  }
  func.func @transform_6(%arg0: i32) -> (i32, i32) {
    %c0_i32 = arith.constant 0 : i32
    %c0_i32_0 = arith.constant 0 : i32
    %c0_i32_1 = arith.constant 0 : i32
    return %c0_i32, %c0_i32_0 : i32, i32
  }
  func.func @transform_7(%arg0: i32) -> (i32, i32) {
    %c0_i32 = arith.constant 0 : i32
    %c0_i32_0 = arith.constant 0 : i32
    %c0_i32_1 = arith.constant 0 : i32
    return %c0_i32, %c0_i32_0 : i32, i32
  }
  func.func @transform_8(%arg0: i32) -> (i32, i32) {
    %c0_i32 = arith.constant 0 : i32
    %c0_i32_0 = arith.constant 0 : i32
    %c0_i32_1 = arith.constant 0 : i32
    return %c0_i32, %c0_i32_0 : i32, i32
  }
  func.func @transform_9(%arg0: i32) -> (i32, i32) {
    %c0_i32 = arith.constant 0 : i32
    %c0_i32_0 = arith.constant 0 : i32
    %c0_i32_1 = arith.constant 0 : i32
    return %c0_i32, %c0_i32_0 : i32, i32
  }
  func.func @transform_10(%arg0: i32) -> (i32, i32) {
    %c0_i32 = arith.constant 0 : i32
    %c0_i32_0 = arith.constant 0 : i32
    %c0_i32_1 = arith.constant 0 : i32
    return %c0_i32, %c0_i32_0 : i32, i32
  }
  func.func @transform_11(%arg0: i32) -> (i32, i32) {
    %c0_i32 = arith.constant 0 : i32
    %c0_i32_0 = arith.constant 0 : i32
    return %arg0, %c0_i32 : i32, i32
  }
}

</mosaic_0001>

<sc_bundles>
// kernel: kernel.6.cloned.1.call-start
scs
__scs_entry_jumppad:
0x0: {  	(pc) =	sbr.rel $0x88, $3  }
0x1: {  	(tag) =	ssettag $0x0;
	lr =	simm.s32 $0x1  }
0x2: {  	[smem:$0x3F97] =	sst lr;
	_ =	strace $0xD0000000  }
0x3: {  	_ = 	snop  }
0x4: {  	_ = 	snop  }
0x5: {  	_ = 	snop  }
0x6: {  	_ = 	snop  }
0x7: {  	_ = 	snop  }
__scs_overlays_trampoline_lowered:
0x8: {  	[smem:$0x3FA6] =	sst s0  }
0x9: {  	[smem:$0x3FA7] =	sst s1  }
0xa: {  	[smem:$0x3FA8] =	sst s2  }
0xb: {  	[smem:$0x3FA9] =	sst s3  }
0xc: {  	[smem:$0x3FAA] =	sst s4  }
0xd: {  	[smem:$0x3FAB] =	sst s5  }
0xe: {  	[smem:$0x3FAC] =	sst s6  }
0xf: {  	[smem:$0x3FAD] =	sst s7  }
0x10: {  	[smem:$0x3FAE] =	sst s8  }
0x11: {  	[smem:$0x3FAF] =	sst s9;
	s0 =	simm.s32 @!p0 $0x0  }
0x12: {  	s1 =	sld [smem:$0x3F95];
	s0 =	simm.s32 @p0 $0x1  }
0x13: {  	[smem:$0x3FB0] =	sst s0;
	s0 =	simm.s32 @!p1 $0x0  }
0x14: {  	s2 =	sld [smem:$0x3F94];
	s0 =	simm.s32 @p1 $0x1  }
0x15: {  	[smem:$0x3FB1] =	sst s0;
	s0 =	simm.s32 @!p2 $0x0  }
0x16: {  	s3 =	sld [smem:$0x3FDB];
	s0 =	simm.s32 @p2 $0x1  }
0x17: {  	s4 =	simm.s32 $0x1BF5;
	[smem:$0x3FB3] =	sst s0  }
0x18: {  	s0 =	sld [smem:$0x3F96];
	_ =	swait.ge [sflag:s4], $0x0  }
0x19: {  	s7 =	sld [smem:$0x3F97]  }
0x1a: {  	s8 =	sadd.s32 $0xFFFFE003, lr  }
0x1b: {  	s9 =	sadd.s32 $0xFFFFFEF7, lr;
	s5 =	simm.s32 $0xFFFFFFFF;
	p2 =	slt.u32 s8, $0xFFFFF086  }
0x1c: {  	p1 =	slt.u32 s9, $0xF7A;
	s5 =	simm.s32 @!p2 $0x0  }
0x1d: {  	s5 =	simm.s32 @p1 $0x1;
	p0 =	seq.s32 s7, s2  }
0x1e: {  	s7 =	smul.u32 @!p0 $0xF7A, s2;
	p2 =	seq.s32 @!p0 s5, $0x0  }
0x1f: {  	s9 =	smul.u32 $0xF7A, s1;
	s8 =	simm.s32 @!p0 $0x1BF5;
	p2 =	por !p2, p0  }
0x20: {  	[sflag:s8] =	ssyncset.s32 @!p0 $0xFFFFF086;
	s6 =	sadd.s32 @!p0 s3, s7;
	s7 =	simm.s32 @!p0 $0x108  }
0x21: {  	s3 =	sadd.s32 s3, s9;
	s6 =	sadd.s32 @!p0 $0x88, s6;
	s7 =	simm.s32 @p2 $0x1082  }
0x22: {  	[simem:s7], [sflag:s8] =	dma.local @!p0 [hbm:s6], $0xF7A  }
0x23: {  	s9 =	sor.u32 $0xD0000000, s2;
	s6 =	simm.s32 $0x108;
	_ =	swait.ge @!p0 [sflag:s8], $0x0  }
0x24: {  	s3 =	sadd.s32 $0x88, s3;
	s6 =	simm.s32 @!p1 $0x1082;
	[sflag:s4] =	ssyncset.s32 $0xFFFFF086  }
0x25: {  	[simem:s6], [sflag:s4] =	dma.local [hbm:s3], $0xF7A  }
0x26: {  	[smem:$0x3F97] =	sst s1;
	(tag) =	ssettag s2;
	_ =	strace s9  }
0x27: {  	s1 =	sld [smem:$0x3FA7]  }
0x28: {  	s2 =	sld [smem:$0x3FA8]  }
0x29: {  	s4 =	sld [smem:$0x3FAA]  }
0x2a: {  	p0 =	seq.s32 s5, $0x0;
	s5 =	sld [smem:$0x3FAB]  }
0x2b: {  	s6 =	sld [smem:$0x3FAC]  }
0x2c: {  	s7 =	sld [smem:$0x3FAD]  }
0x2d: {  	s3 =	simm.s32 $0x108;
	s8 =	sld [smem:$0x3FAE]  }
0x2e: {  	s3 =	simm.s32 @!p0 $0x1082;
	s9 =	sld [smem:$0x3FAF]  }
0x2f: {  	lr =	sadd.s32 s0, s3;
	s0 =	sld [smem:$0x3FA6]  }
0x30: {  	s3 =	sld [smem:$0x3FA9]  }
0x31: {  	[smem:$0x3FB2] =	sst s10  }
0x32: {  	s10 =	sld [smem:$0x3FB0];
	_ =	sdelay $0x3  }
0x33: {  	p0 =	seq.s32 s10, $0x1;
	s10 =	sld [smem:$0x3FB2];
	_ =	sdelay $0x3  }
0x34: {  	[smem:$0x3FB2] =	sst s10  }
0x35: {  	s10 =	sld [smem:$0x3FB1];
	_ =	sdelay $0x3  }
0x36: {  	p1 =	seq.s32 s10, $0x1;
	s10 =	sld [smem:$0x3FB2];
	_ =	sdelay $0x3  }
0x37: {  	[smem:$0x3FB2] =	sst s10  }
0x38: {  	s10 =	sld [smem:$0x3FB3]  }
0x39: {  	_ = 	snop;
	(pc) =	sbr.ind lr, $3  }
0x3a: {  	_ = 	snop  }
0x3b: {  	_ = 	snop  }
0x3c: {  	p2 =	seq.s32 s10, $0x1;
	s10 =	sld [smem:$0x3FB2]  }
0x3d: {  	_ =	shalt  }
0x3e: {  	_ =	shalt  }
0x3f: {  	_ =	shalt  }
0x40: {  	_ =	shalt  }
0x41: {  	_ =	shalt  }
0x42: {  	_ =	shalt  }
0x43: {  	_ =	shalt  }
0x44: {  	_ =	shalt  }
0x45: {  	_ =	shalt  }
0x46: {  	_ =	shalt  }
0x47: {  	_ =	shalt  }
0x48: {  	_ =	shalt  }
0x49: {  	_ =	shalt  }
0x4a: {  	_ =	shalt  }
0x4b: {  	_ =	shalt  }
0x4c: {  	_ =	shalt  }
0x4d: {  	_ =	shalt  }
0x4e: {  	_ =	shalt  }
0x4f: {  	_ =	shalt  }
0x50: {  	_ =	shalt  }
0x51: {  	_ =	shalt  }
0x52: {  	_ =	shalt  }
0x53: {  	_ =	shalt  }
0x54: {  	_ =	shalt  }
0x55: {  	_ =	shalt  }
0x56: {  	_ =	shalt  }
0x57: {  	_ =	shalt  }
0x58: {  	_ =	shalt  }
0x59: {  	_ =	shalt  }
0x5a: {  	_ =	shalt  }
0x5b: {  	_ =	shalt  }
0x5c: {  	_ =	shalt  }
0x5d: {  	_ =	shalt  }
0x5e: {  	_ =	shalt  }
0x5f: {  	_ =	shalt  }
0x60: {  	_ =	shalt  }
0x61: {  	_ =	shalt  }
0x62: {  	_ =	shalt  }
0x63: {  	_ =	shalt  }
0x64: {  	_ =	shalt  }
0x65: {  	_ =	shalt  }
0x66: {  	_ =	shalt  }
0x67: {  	_ =	shalt  }
0x68: {  	_ =	shalt  }
0x69: {  	_ =	shalt  }
0x6a: {  	_ =	shalt  }
0x6b: {  	_ =	shalt  }
0x6c: {  	_ =	shalt  }
0x6d: {  	_ =	shalt  }
0x6e: {  	_ =	shalt  }
0x6f: {  	_ =	shalt  }
0x70: {  	_ =	shalt  }
0x71: {  	_ =	shalt  }
0x72: {  	_ =	shalt  }
0x73: {  	_ =	shalt  }
0x74: {  	_ =	shalt  }
0x75: {  	_ =	shalt  }
0x76: {  	_ =	shalt  }
0x77: {  	_ =	shalt  }
0x78: {  	_ =	shalt  }
0x79: {  	_ =	shalt  }
0x7a: {  	_ =	shalt  }
0x7b: {  	_ =	shalt  }
0x7c: {  	_ =	shalt  }
0x7d: {  	_ =	shalt  }
0x7e: {  	_ =	shalt  }
0x7f: {  	_ =	shalt  }
0x80: {  	_ =	shalt  }
0x81: {  	_ =	shalt  }
0x82: {  	_ =	shalt  }
0x83: {  	_ =	shalt  }
0x84: {  	_ =	shalt  }
0x85: {  	_ =	shalt  }
0x86: {  	_ =	shalt  }
0x87: {  	_ =	shalt  }
.Lfunc_end0:
.L_simem_size_0:
called_computation_lowered:
.L_overlay_start_0:
0x88: {  	s2 =	sld [smem:$0x3FD9]  }
0x89: {  	s3 =	sld [smem:$0x3FFE];
	_ =	sdelay $0x1  }
0x8a: {  	s1 =	srdreg.scid  }
0x8b: {  	s0 =	sand.u32 $0x1, s1  }
0x8c: {  	s16 =	sshll.u32 s0, $0xA;
	s2 =	sadd.s32 s3, s2  }
0x8d: {  	s2 =	sadd.s32 s2, s16  }
0x8e: {  	[smem:$0x3FBE] =	sst s2  }
0x8f: {  	_ = 	snop  }
0x90: {  	(tm) =	ssettm $0x1  }
0x91: {  	s17 =	sld [smem:$0x3FFB];
	_ =	sdelay $0x3  }
0x92: {  	_ =	strace s17  }
0x93: {  	s2 =	sld [smem:$0x3FFC];
	_ =	sdelay $0x3  }
0x94: {  	_ =	strace s2  }
0x95: {  	s2 =	sld [smem:$0x3FFD];
	_ =	sdelay $0x3  }
0x96: {  	_ =	strace s2  }
0x97: {  	_ =	strace $0x8FFFFFFF  }
0x98: {  	s18 =	sld [smem:$0x3FDB];
	_ =	sdelay $0x1  }
0x99: {  	s19 =	simm.s32 $_scs_section_size  }
0x9a: {  	s4 =	simm.s32 $_size__tile_overlayer_lowered;
	s5 =	simm.s32 $_tile_overlayer_lowered  }
0x9b: {  	s22 =	simm.s32 $0x1BFF;
	s21 =	sshll.u32 s5, $0x1;
	s2 =	sadd.s32 s19, s18  }
0x9c: {  	s6 =	simm.s32 $0x0;
	s20 =	sshll.u32 s4, $0x1;
	s4 =	sadd.s32 s21, s2  }
0x9d: {  	[timem:s6], [sflag:s22] =	dma.local [hbm:s4], s20  }
0x9e: {  	_ =	swait.ge [sflag:s22], s20  }
0x9f: {  	s3 =	ssub.s32 $0x0, s20;
	[sflag:s22] =	ssyncset.done $0x0  }
0xa0: {  	[sflag:s22] =	ssyncadd.s32 s3;
	_ =	sdelay $0x1  }
0xa1: {  	s23 =	simm.s32 $0x1B8B  }
0xa2: {  	_ =	swait.ge [sflag:s23], $0x1  }
0xa3: {  	[sflag:s23] =	ssyncset.done $0x0  }
0xa4: {  	s25 =	simm.s32 $0x1B8E;
	s24 =	sld [smem:$0x3FFE];
	[sflag:s23] =	ssyncadd.s32 $0xFFFFFFFF  }
0xa5: {  	s26 =	simm.s32 $execute0_lowered;
	[smem:$0x3FD2] =	sst s25  }
0xa6: {  	s4 =	sshll.u32 s26, $0x1;
	_ =	strace $0x80000046;
	[dreg:$0x1] =	wrdreg $0xFFFFFFFF  }
0xa7: {  	s28 =	simm.s32 $_size_execute0_lowered;
	s2 =	sadd.s32 s2, s4;
	[dreg:$0x0] =	wrdreg $0x0  }
0xa8: {  	s4 =	sshll.u32 s28, $0x1;
	[dreg:$0x2] =	wrdreg s2  }
0xa9: {  	[dreg:$0x3] =	wrdreg s4  }
0xaa: {  	[dreg:$0x4] =	wrdreg $0xC0  }
0xab: {  	_ =	task [dreg:s6], $0x5FFFF  }
0xac: {  	[dreg:$0x1] =	wrdreg $0xFFFFFFFF  }
0xad: {  	[dreg:$0x0] =	wrdreg $0x60  }
0xae: {  	[dreg:$0x2] =	wrdreg s24  }
0xaf: {  	[dreg:$0x3] =	wrdreg $0x88000  }
0xb0: {  	[dreg:$0x4] =	wrdreg $0x9  }
0xb1: {  	_ =	task.clear_ibuf [dreg:s6], $0x5FFFF;
	_ =	strace $0x90000046  }
0xb2: {  	s29 =	simm.s32 $0x9;
	_ =	strace $0x80000048  }
0xb3: {  	_ =	swait.ge [sflag:s29], $0x1  }
0xb4: {  	[sflag:s29] =	ssyncadd.s32 $0xFFFFFFFF  }
0xb5: {  	_ =	strace $0x90000048  }
0xb6: {  	_ =	sfence  }
0xb7: {  	s30 =	sld [smem:$0x0];
	_ =	sdelay $0x2  }
0xb8: {  	s31 =	sshll.u32 s1, $0xD;
	s1 =	sshrl.u32 s1, $0x2  }
0xb9: {  	s3 =	sand.u32 $0x4000, s31;
	s1 =	sadd.s32 s1, s30  }
0xba: {  	s0 =	sor.u32 s3, s0;
	s1 =	sshll.u32 s1, $0x11  }
0xbb: {  	s0 =	sor.u32 s1, s0  }
0xbc: {  	s0 =	sadd.s32 $0x8F2B, s0  }
0xbd: {  	[sflag:s0] =	ssyncadd.remote.s32 $0x1  }
0xbe: {  	_ =	sfence.sel $0xFFFF  }
0xbf: {  	[dreg:$0x0] =	wrdreg $0xFFFFFFFF;
	(pc) =	sbr.abs _section_cstart, $3  }
0xc0: {  	[dreg:$0x1] =	wrdreg $0xFFFFFFFF  }
0xc1: {  	_ =	task.clear_ibuf [dreg:s6], $0x2FFFF;
	_ =	strace $0x9FFFFFFF  }
0xc2: {  	(tm) =	ssettm $0x7FFFFFFF  }
0xc3: {  	_ =	shalt  }
tec
execute0_lowered:
.L_overlay_start_1:
0x0: {  	(tag) =	ssettag $0x1  }
0x1: {  	s0 =	srdreg.scid  }
0x2: {  	s1 =	rddreg [dreg:$0x0];
	s8 =	stileid.u32  }
0x3: {  	s2 =	rddreg [dreg:$0x1];
	s3 =	simm.s32 $0x0;
	s19 =	simm.s32 $0x2800  }
0x4: {  	s20 =	simm.s32 $0x3;
	s21 =	simm.s32 $0x6800;
	s22 =	simm.s32 $0x1  }
0x5: {  	s23 =	simm.s32 $0x80;
	s25 =	simm.s32 $0x180;
	s28 =	simm.s32 $0x280  }
0x6: {  	s29 =	simm.s32 $0x300;
	s30 =	simm.s32 $0x380;
	s5 =	smul.u32 $0x14000, s8  }
0x7: {  	s31 =	simm.s32 $0x2;
	s0 =	sand.u32 $0x1, s0;
	s6 =	smul.u32 $0x50000, s8  }
0x8: {  	[smem:$0x7FF] =	sst s3;
	s4 =	smul.u32 $0x140000, s0;
	s26 =	ssub.s32 $0x2, s0  }
0x9: {  	_ =	strace $0x80000047;
	s0 =	sshll.u32 s0, $0x4;
	s7 =	sshrl.u32 s26, $0x1  }
0xa: {  	s6 =	sshrl.u32 s6, $0x2;
	s0 =	sor.u32 s8, s0;
	s4 =	sadd.s32 s5, s4  }
0xb: {  	s18 =	ssub.s32 s26, s7;
	s0 =	smul.u32 $0x500, s0;
	s26 =	simm.s32 $0x200  }
0xc: {  	s5 =	sshrl.u32 s4, $0x3;
	s4 =	sadd.s32 $0xA000, s1;
	s18 =	smax.u32 s18, $0x1  }
0xd: {  	s17 =	sadd.s32 s5, s1;
	s5 =	sadd.s32 s6, s2;
	s6 =	sadd.s32 $0xA800, s1  }
0xe: {  	s16 =	sadd.s32 s1, s0;
	s1 =	simm.s32 $0x0;
	s7 =	sadd.s32 $0x2000, s5  }
0xf: {  	s8 =	sadd.s32 $0x4000, s5;
	s9 =	sadd.s32 $0x6000, s5;
	s10 =	sadd.s32 $0x8000, s5  }
0x10: {  	s11 =	sadd.s32 $0xA000, s5;
	s12 =	sadd.s32 $0xC000, s5;
	s13 =	sadd.s32 $0xE000, s5  }
0x11: {  	s14 =	sadd.s32 $0x10000, s5;
	s15 =	sadd.s32 $0x12000, s5;
	s17 =	sadd.s32 $0xAC00, s17  }
.LBB2_1:
0x12: {  	[tilespmem:s19], [sflag:$0x3] =	stream.linear.gather [hbm4b:s4+s3], $0x4000, $0x38;
	[tilespmem:$0x1C800] =	vst v63  }
0x13: {  	_ =	swait.ge [sflag:s20], $0x4000  }
0x14: {  	[sflag:s20] =	ssyncset.done $0x0  }
0x15: {  	[sflag:s20] =	ssyncadd.s32 $0xFFFFC000  }
0x16: {  	[tilespmem:s21], [sflag:$0x3] =	stream.linear.gather [hbm4b:s6+s3], $0x2000, $0x38;
	[tilespmem:$0x1C800] =	vst v63  }
0x17: {  	_ =	swait.ge [sflag:s20], $0x2000  }
0x18: {  	[sflag:s20] =	ssyncset.done $0x0  }
0x19: {  	[sflag:s20] =	ssyncadd.s32 $0xFFFFE000  }
0x1a: {  	[spmem:s5] =	stream.linear.scatter [tilespmem:s21], [sflag:$0x1], $0x2000, $0x38;
	[tilespmem:$0x1C800] =	vst v63  }
0x1b: {  	_ = 	snop  }
0x1c: {  	[spmem:s7] =	stream.linear.scatter [tilespmem:s21], [sflag:$0x1], $0x2000, $0x38;
	[tilespmem:$0x1C800] =	vst v63  }
0x1d: {  	_ = 	snop  }
0x1e: {  	[spmem:s8] =	stream.linear.scatter [tilespmem:s21], [sflag:$0x1], $0x2000, $0x38;
	[tilespmem:$0x1C800] =	vst v63  }
0x1f: {  	_ = 	snop  }
0x20: {  	[spmem:s9] =	stream.linear.scatter [tilespmem:s21], [sflag:$0x1], $0x2000, $0x38;
	[tilespmem:$0x1C800] =	vst v63  }
0x21: {  	_ = 	snop  }
0x22: {  	[spmem:s10] =	stream.linear.scatter [tilespmem:s21], [sflag:$0x1], $0x2000, $0x38;
	[tilespmem:$0x1C800] =	vst v63  }
0x23: {  	_ = 	snop  }
0x24: {  	[spmem:s11] =	stream.linear.scatter [tilespmem:s21], [sflag:$0x1], $0x2000, $0x38;
	[tilespmem:$0x1C800] =	vst v63  }
0x25: {  	_ = 	snop  }
0x26: {  	[spmem:s12] =	stream.linear.scatter [tilespmem:s21], [sflag:$0x1], $0x2000, $0x38;
	[tilespmem:$0x1C800] =	vst v63  }
0x27: {  	_ = 	snop  }
0x28: {  	[spmem:s13] =	stream.linear.scatter [tilespmem:s21], [sflag:$0x1], $0x2000, $0x38;
	[tilespmem:$0x1C800] =	vst v63  }
0x29: {  	_ = 	snop  }
0x2a: {  	[spmem:s14] =	stream.linear.scatter [tilespmem:s21], [sflag:$0x1], $0x2000, $0x38;
	[tilespmem:$0x1C800] =	vst v63  }
0x2b: {  	_ = 	snop  }
0x2c: {  	[spmem:s15] =	stream.linear.scatter [tilespmem:s21], [sflag:$0x1], $0x2000, $0x38;
	[tilespmem:$0x1C800] =	vst v63  }
0x2d: {  	_ = 	snop  }
0x2e: {  	[tilespmem:s3], [sflag:$0x3] =	stream.linear.gather [hbm4b:s16+s3], $0x2780, $0x38;
	[tilespmem:$0x1C800] =	vst v63  }
0x2f: {  	_ =	swait.ge [sflag:s20], $0x2780  }
0x30: {  	[sflag:s20] =	ssyncset.done $0x0  }
0x31: {  	[sflag:s20] =	ssyncadd.s32 $0xFFFFD880  }
0x32: {  	_ =	swait.ge [sflag:s22], $0x2000  }
0x33: {  	[sflag:s22] =	ssyncset.done $0x0  }
0x34: {  	[sflag:s22] =	ssyncadd.s32 $0xFFFFE000  }
0x35: {  	_ =	swait.ge [sflag:s22], $0x2000  }
0x36: {  	[sflag:s22] =	ssyncset.done $0x0  }
0x37: {  	[sflag:s22] =	ssyncadd.s32 $0xFFFFE000  }
0x38: {  	_ =	swait.ge [sflag:s22], $0x2000  }
0x39: {  	[sflag:s22] =	ssyncset.done $0x0  }
0x3a: {  	[sflag:s22] =	ssyncadd.s32 $0xFFFFE000  }
0x3b: {  	_ =	swait.ge [sflag:s22], $0x2000  }
0x3c: {  	[sflag:s22] =	ssyncset.done $0x0  }
0x3d: {  	[sflag:s22] =	ssyncadd.s32 $0xFFFFE000  }
0x3e: {  	_ =	swait.ge [sflag:s22], $0x2000  }
0x3f: {  	[sflag:s22] =	ssyncset.done $0x0  }
0x40: {  	[sflag:s22] =	ssyncadd.s32 $0xFFFFE000  }
0x41: {  	_ =	swait.ge [sflag:s22], $0x2000  }
0x42: {  	[sflag:s22] =	ssyncset.done $0x0  }
0x43: {  	[sflag:s22] =	ssyncadd.s32 $0xFFFFE000  }
0x44: {  	_ =	swait.ge [sflag:s22], $0x2000  }
0x45: {  	[sflag:s22] =	ssyncset.done $0x0  }
0x46: {  	[sflag:s22] =	ssyncadd.s32 $0xFFFFE000  }
0x47: {  	_ =	swait.ge [sflag:s22], $0x2000  }
0x48: {  	[sflag:s22] =	ssyncset.done $0x0  }
0x49: {  	[sflag:s22] =	ssyncadd.s32 $0xFFFFE000  }
0x4a: {  	_ =	swait.ge [sflag:s22], $0x2000  }
0x4b: {  	[sflag:s22] =	ssyncset.done $0x0  }
0x4c: {  	[sflag:s22] =	ssyncadd.s32 $0xFFFFE000  }
0x4d: {  	_ =	swait.ge [sflag:s22], $0x2000  }
0x4e: {  	[sflag:s22] =	ssyncset.done $0x0  }
0x4f: {  	[sflag:s22] =	ssyncadd.s32 $0xFFFFE000  }
0x50: {  	[bflag:$0x0] =	sbarrier.arrive $0xFFFF  }
0x51: {  	[spmem:s2] =	stream.indirect.scatter.add.f32 [tilespmem:s19], [sflag:$0x2], $0x80, s3, s23, $0xb8;
	[tilespmem:$0x1C800] =	vst v63  }
0x52: {  	_ = 	snop  }
0x53: {  	[spmem:s2] =	stream.indirect.scatter.add.f32 [tilespmem:s19], [sflag:$0x2], $0x80, s23, s23, $0xb8;
	[tilespmem:$0x1C800] =	vst v63  }
0x54: {  	s0 =	simm.s32 $0x100  }
0x55: {  	[spmem:s2] =	stream.indirect.scatter.add.f32 [tilespmem:s19], [sflag:$0x2], $0x80, s0, s23, $0xb8;
	[tilespmem:$0x1C800] =	vst v63  }
0x56: {  	_ = 	snop  }
0x57: {  	[spmem:s2] =	stream.indirect.scatter.add.f32 [tilespmem:s19], [sflag:$0x2], $0x80, s25, s23, $0xb8;
	[tilespmem:$0x1C800] =	vst v63  }
0x58: {  	_ = 	snop  }
0x59: {  	[spmem:s2] =	stream.indirect.scatter.add.f32 [tilespmem:s19], [sflag:$0x2], $0x80, s26, s23, $0xb8;
	[tilespmem:$0x1C800] =	vst v63  }
0x5a: {  	_ = 	snop  }
0x5b: {  	[spmem:s2] =	stream.indirect.scatter.add.f32 [tilespmem:s19], [sflag:$0x2], $0x80, s28, s23, $0xb8;
	[tilespmem:$0x1C800] =	vst v63  }
0x5c: {  	_ = 	snop  }
0x5d: {  	[spmem:s2] =	stream.indirect.scatter.add.f32 [tilespmem:s19], [sflag:$0x2], $0x80, s29, s23, $0xb8;
	[tilespmem:$0x1C800] =	vst v63  }
0x5e: {  	_ = 	snop  }
0x5f: {  	[spmem:s2] =	stream.indirect.scatter.add.f32 [tilespmem:s19], [sflag:$0x2], $0x80, s30, s23, $0xb8;
	[tilespmem:$0x1C800] =	vst v63  }
0x60: {  	_ =	swait.ge [sflag:s31], $0x4000  }
0x61: {  	[sflag:s31] =	ssyncset.done $0x0  }
0x62: {  	s24 =	simm.s32 $0x400;
	s0 =	simm.s32 $0x1200;
	[sflag:s31] =	ssyncadd.s32 $0xFFFFC000  }
.LBB2_2:
0x63: {  	[spmem:s2] =	stream.indirect.scatter.add.f32 [tilespmem:s19], [sflag:$0x2], $0x80, s24, s23, $0xb8;
	[tilespmem:$0x1C800] =	vst v63  }
0x64: {  	s24 =	smov.u32 s0;
	p0 =	sne.s32 s0, $0x9C00  }
.Ltmp0:
0x65: {  	s0 =	sadd.s32 $0x200, s0;
	(pc) =	sbr.rel @p0 .LBB2_2-.Ltmp0, $4  }
0x66: {  	_ = 	snop  }
0x67: {  	_ =	swait.ge [sflag:s31], $0x4000  }
0x68: {  	[sflag:s31] =	ssyncset.done $0x0  }
0x69: {  	s24 =	sshra.s32 s24, $0x2;
	[sflag:s31] =	ssyncadd.s32 $0xFFFFC000  }
0x6a: {  	[spmem:s2] =	stream.indirect.scatter.add.f32 [tilespmem:s19], [sflag:$0x2], $0x80, s24, s23, $0xb8;
	[tilespmem:$0x1C800] =	vst v63  }
0x6b: {  	_ =	swait.ge [sflag:s31], $0x4000  }
0x6c: {  	[sflag:s31] =	ssyncset.done $0x0  }
0x6d: {  	[sflag:s31] =	ssyncadd.s32 $0xFFFFC000  }
0x6e: {  	_ =	swait.ge [sflag:s31], $0x4000  }
0x6f: {  	[sflag:s31] =	ssyncset.done $0x0  }
0x70: {  	[sflag:s31] =	ssyncadd.s32 $0xFFFFC000  }
0x71: {  	_ =	swait.ge [sflag:s31], $0x4000  }
0x72: {  	[sflag:s31] =	ssyncset.done $0x0  }
0x73: {  	[sflag:s31] =	ssyncadd.s32 $0xFFFFC000  }
0x74: {  	_ =	swait.ge [sflag:s31], $0x4000  }
0x75: {  	[sflag:s31] =	ssyncset.done $0x0  }
0x76: {  	[sflag:s31] =	ssyncadd.s32 $0xFFFFC000  }
0x77: {  	_ =	swait.ge [sflag:s31], $0x4000  }
0x78: {  	[sflag:s31] =	ssyncset.done $0x0  }
0x79: {  	[sflag:s31] =	ssyncadd.s32 $0xFFFFC000  }
0x7a: {  	_ =	swait.ge [sflag:s31], $0x4000  }
0x7b: {  	[sflag:s31] =	ssyncset.done $0x0  }
0x7c: {  	[sflag:s31] =	ssyncadd.s32 $0xFFFFC000  }
0x7d: {  	_ =	swait.ge [sflag:s31], $0x4000  }
0x7e: {  	[sflag:s31] =	ssyncset.done $0x0  }
0x7f: {  	[sflag:s31] =	ssyncadd.s32 $0xFFFFC000  }
0x80: {  	s0 =	stileid.u32;
	_ =	swait.ge [sflag:s31], $0x4000  }
0x81: {  	s24 =	sshrl.u32 s5, $0x3;
	s1 =	sadd.s32 $0x1, s1;
	[sflag:s31] =	ssyncset.done $0x0  }
0x82: {  	s0 =	sshll.u32 s0, $0x6;
	p0 =	sne.s32 s1, s18;
	[sflag:s31] =	ssyncadd.s32 $0xFFFFC000  }
.Ltmp1:
0x83: {  	s0 =	sor.u32 $0x1C03, s0;
	[bflag:$0x0] =	sbarrier.arrive $0xFFFF;
	(pc) =	sbr.rel @p0 .LBB2_1-.Ltmp1, $4  }
0x84: {  	[hbm:s17], [sflag:s0] =	dma.local [spmem:s24], $0x2800  }
0x85: {  	_ =	swait.ge [sflag:s20], $0x2800  }
0x86: {  	[sflag:s20] =	ssyncset.done $0x0  }
0x87: {  	[sflag:s20] =	ssyncadd.s32 $0xFFFFD800  }
0x88: {  	_ =	sfence.sel $0x180000  }
0x89: {  	[bflag:$0x0] =	sbarrier.arrive $0xFFFF  }
0x8a: {  	_ =	strace $0x90000047  }
0x8b: {  	s0 =	stileid.u32;
	[bflag:$0x2] =	sbarrier.arrive $0xFFFF  }
0x8c: {  	p0 =	sne.s32 s0, $0x0;
	s0 =	rddreg [dreg:$0x2]  }
0x8d: {  	s0 =	sadd.s32 @!p0 $0x100000, s0  }
0x8e: {  	[sflag:s0] =	ssyncadd.tile.s32 @!p0 $0x1;
	_ =	shalt  }
.Lfunc_end2:
_tile_overlayer_lowered:
.L_overlay_start_2:
0x8f: {  	(tag) =	ssettag $0x2  }
0x90: {  	s0 =	rddreg [dreg:$0x0];
	s2 =	stileid.u32  }
0x91: {  	s1 =	rddreg [dreg:$0x1];
	p0 =	sne.s32 s2, $0x0  }
0x92: {  	s3 =	rddreg [dreg:$0x2];
	[bflag:$0x3] =	sbarrier.arrive $0xFFFF;
	s2 =	simm.s32 @!p0 $0x1C03  }
0x93: {  	[timem:s3], [sflag:s2] =	dma.local @!p0 [hbm:s0], s1  }
0x94: {  	s0 =	simm.s32 @!p0 $0x3  }
0x95: {  	_ =	swait.ge @!p0 [sflag:s0], s1  }
0x96: {  	s1 =	ssub.s32 @!p0 $0x0, s1;
	[sflag:s0] =	ssyncset.done @!p0 $0x0  }
0x97: {  	[sflag:s0] =	ssyncadd.s32 @!p0 s1  }
0x98: {  	[bflag:$0x3] =	sbarrier.arrive $0xFFFF  }
0x99: {  	_ =	shalt  }

// kernel: kernel.9.cloned.1.call-start
scs
__scs_entry_jumppad:
0x0: {  	(pc) =	sbr.rel $0x88, $3  }
0x1: {  	(tag) =	ssettag $0x0;
	lr =	simm.s32 $0x1  }
0x2: {  	[smem:$0x3F97] =	sst lr;
	_ =	strace $0xD0000000  }
0x3: {  	_ = 	snop  }
0x4: {  	_ = 	snop  }
0x5: {  	_ = 	snop  }
0x6: {  	_ = 	snop  }
0x7: {  	_ = 	snop  }
__scs_overlays_trampoline_lowered:
0x8: {  	[smem:$0x3FA6] =	sst s0  }
0x9: {  	[smem:$0x3FA7] =	sst s1  }
0xa: {  	[smem:$0x3FA8] =	sst s2  }
0xb: {  	[smem:$0x3FA9] =	sst s3  }
0xc: {  	[smem:$0x3FAA] =	sst s4  }
0xd: {  	[smem:$0x3FAB] =	sst s5  }
0xe: {  	[smem:$0x3FAC] =	sst s6  }
0xf: {  	[smem:$0x3FAD] =	sst s7  }
0x10: {  	[smem:$0x3FAE] =	sst s8  }
0x11: {  	[smem:$0x3FAF] =	sst s9;
	s0 =	simm.s32 @!p0 $0x0  }
0x12: {  	s1 =	sld [smem:$0x3F95];
	s0 =	simm.s32 @p0 $0x1  }
0x13: {  	[smem:$0x3FB0] =	sst s0;
	s0 =	simm.s32 @!p1 $0x0  }
0x14: {  	s2 =	sld [smem:$0x3F94];
	s0 =	simm.s32 @p1 $0x1  }
0x15: {  	[smem:$0x3FB1] =	sst s0;
	s0 =	simm.s32 @!p2 $0x0  }
0x16: {  	s3 =	sld [smem:$0x3FDB];
	s0 =	simm.s32 @p2 $0x1  }
0x17: {  	s4 =	simm.s32 $0x1BF5;
	[smem:$0x3FB3] =	sst s0  }
0x18: {  	s0 =	sld [smem:$0x3F96];
	_ =	swait.ge [sflag:s4], $0x0  }
0x19: {  	s7 =	sld [smem:$0x3F97]  }
0x1a: {  	s8 =	sadd.s32 $0xFFFFE003, lr  }
0x1b: {  	s9 =	sadd.s32 $0xFFFFFEF7, lr;
	s5 =	simm.s32 $0xFFFFFFFF;
	p2 =	slt.u32 s8, $0xFFFFF086  }
0x1c: {  	p1 =	slt.u32 s9, $0xF7A;
	s5 =	simm.s32 @!p2 $0x0  }
0x1d: {  	s5 =	simm.s32 @p1 $0x1;
	p0 =	seq.s32 s7, s2  }
0x1e: {  	s7 =	smul.u32 @!p0 $0xF7A, s2;
	p2 =	seq.s32 @!p0 s5, $0x0  }
0x1f: {  	s9 =	smul.u32 $0xF7A, s1;
	s8 =	simm.s32 @!p0 $0x1BF5;
	p2 =	por !p2, p0  }
0x20: {  	[sflag:s8] =	ssyncset.s32 @!p0 $0xFFFFF086;
	s6 =	sadd.s32 @!p0 s3, s7;
	s7 =	simm.s32 @!p0 $0x108  }
0x21: {  	s3 =	sadd.s32 s3, s9;
	s6 =	sadd.s32 @!p0 $0x88, s6;
	s7 =	simm.s32 @p2 $0x1082  }
0x22: {  	[simem:s7], [sflag:s8] =	dma.local @!p0 [hbm:s6], $0xF7A  }
0x23: {  	s9 =	sor.u32 $0xD0000000, s2;
	s6 =	simm.s32 $0x108;
	_ =	swait.ge @!p0 [sflag:s8], $0x0  }
0x24: {  	s3 =	sadd.s32 $0x88, s3;
	s6 =	simm.s32 @!p1 $0x1082;
	[sflag:s4] =	ssyncset.s32 $0xFFFFF086  }
0x25: {  	[simem:s6], [sflag:s4] =	dma.local [hbm:s3], $0xF7A  }
0x26: {  	[smem:$0x3F97] =	sst s1;
	(tag) =	ssettag s2;
	_ =	strace s9  }
0x27: {  	s1 =	sld [smem:$0x3FA7]  }
0x28: {  	s2 =	sld [smem:$0x3FA8]  }
0x29: {  	s4 =	sld [smem:$0x3FAA]  }
0x2a: {  	p0 =	seq.s32 s5, $0x0;
	s5 =	sld [smem:$0x3FAB]  }
0x2b: {  	s6 =	sld [smem:$0x3FAC]  }
0x2c: {  	s7 =	sld [smem:$0x3FAD]  }
0x2d: {  	s3 =	simm.s32 $0x108;
	s8 =	sld [smem:$0x3FAE]  }
0x2e: {  	s3 =	simm.s32 @!p0 $0x1082;
	s9 =	sld [smem:$0x3FAF]  }
0x2f: {  	lr =	sadd.s32 s0, s3;
	s0 =	sld [smem:$0x3FA6]  }
0x30: {  	s3 =	sld [smem:$0x3FA9]  }
0x31: {  	[smem:$0x3FB2] =	sst s10  }
0x32: {  	s10 =	sld [smem:$0x3FB0];
	_ =	sdelay $0x3  }
0x33: {  	p0 =	seq.s32 s10, $0x1;
	s10 =	sld [smem:$0x3FB2];
	_ =	sdelay $0x3  }
0x34: {  	[smem:$0x3FB2] =	sst s10  }
0x35: {  	s10 =	sld [smem:$0x3FB1];
	_ =	sdelay $0x3  }
0x36: {  	p1 =	seq.s32 s10, $0x1;
	s10 =	sld [smem:$0x3FB2];
	_ =	sdelay $0x3  }
0x37: {  	[smem:$0x3FB2] =	sst s10  }
0x38: {  	s10 =	sld [smem:$0x3FB3]  }
0x39: {  	_ = 	snop;
	(pc) =	sbr.ind lr, $3  }
0x3a: {  	_ = 	snop  }
0x3b: {  	_ = 	snop  }
0x3c: {  	p2 =	seq.s32 s10, $0x1;
	s10 =	sld [smem:$0x3FB2]  }
0x3d: {  	_ =	shalt  }
0x3e: {  	_ =	shalt  }
0x3f: {  	_ =	shalt  }
0x40: {  	_ =	shalt  }
0x41: {  	_ =	shalt  }
0x42: {  	_ =	shalt  }
0x43: {  	_ =	shalt  }
0x44: {  	_ =	shalt  }
0x45: {  	_ =	shalt  }
0x46: {  	_ =	shalt  }
0x47: {  	_ =	shalt  }
0x48: {  	_ =	shalt  }
0x49: {  	_ =	shalt  }
0x4a: {  	_ =	shalt  }
0x4b: {  	_ =	shalt  }
0x4c: {  	_ =	shalt  }
0x4d: {  	_ =	shalt  }
0x4e: {  	_ =	shalt  }
0x4f: {  	_ =	shalt  }
0x50: {  	_ =	shalt  }
0x51: {  	_ =	shalt  }
0x52: {  	_ =	shalt  }
0x53: {  	_ =	shalt  }
0x54: {  	_ =	shalt  }
0x55: {  	_ =	shalt  }
0x56: {  	_ =	shalt  }
0x57: {  	_ =	shalt  }
0x58: {  	_ =	shalt  }
0x59: {  	_ =	shalt  }
0x5a: {  	_ =	shalt  }
0x5b: {  	_ =	shalt  }
0x5c: {  	_ =	shalt  }
0x5d: {  	_ =	shalt  }
0x5e: {  	_ =	shalt  }
0x5f: {  	_ =	shalt  }
0x60: {  	_ =	shalt  }
0x61: {  	_ =	shalt  }
0x62: {  	_ =	shalt  }
0x63: {  	_ =	shalt  }
0x64: {  	_ =	shalt  }
0x65: {  	_ =	shalt  }
0x66: {  	_ =	shalt  }
0x67: {  	_ =	shalt  }
0x68: {  	_ =	shalt  }
0x69: {  	_ =	shalt  }
0x6a: {  	_ =	shalt  }
0x6b: {  	_ =	shalt  }
0x6c: {  	_ =	shalt  }
0x6d: {  	_ =	shalt  }
0x6e: {  	_ =	shalt  }
0x6f: {  	_ =	shalt  }
0x70: {  	_ =	shalt  }
0x71: {  	_ =	shalt  }
0x72: {  	_ =	shalt  }
0x73: {  	_ =	shalt  }
0x74: {  	_ =	shalt  }
0x75: {  	_ =	shalt  }
0x76: {  	_ =	shalt  }
0x77: {  	_ =	shalt  }
0x78: {  	_ =	shalt  }
0x79: {  	_ =	shalt  }
0x7a: {  	_ =	shalt  }
0x7b: {  	_ =	shalt  }
0x7c: {  	_ =	shalt  }
0x7d: {  	_ =	shalt  }
0x7e: {  	_ =	shalt  }
0x7f: {  	_ =	shalt  }
0x80: {  	_ =	shalt  }
0x81: {  	_ =	shalt  }
0x82: {  	_ =	shalt  }
0x83: {  	_ =	shalt  }
0x84: {  	_ =	shalt  }
0x85: {  	_ =	shalt  }
0x86: {  	_ =	shalt  }
0x87: {  	_ =	shalt  }
.Lfunc_end0:
.L_simem_size_0:
called_computation.1_lowered:
.L_overlay_start_0:
0x88: {  	s2 =	sld [smem:$0x3FD9]  }
0x89: {  	s3 =	sld [smem:$0x3FFE];
	_ =	sdelay $0x1  }
0x8a: {  	s1 =	srdreg.scid  }
0x8b: {  	s0 =	sand.u32 $0x1, s1  }
0x8c: {  	s16 =	sshll.u32 s0, $0xA;
	s2 =	sadd.s32 s3, s2  }
0x8d: {  	s2 =	sadd.s32 s2, s16  }
0x8e: {  	[smem:$0x3FBE] =	sst s2  }
0x8f: {  	_ = 	snop  }
0x90: {  	(tm) =	ssettm $0x1  }
0x91: {  	s17 =	sld [smem:$0x3FFB];
	_ =	sdelay $0x3  }
0x92: {  	_ =	strace s17  }
0x93: {  	s2 =	sld [smem:$0x3FFC];
	_ =	sdelay $0x3  }
0x94: {  	_ =	strace s2  }
0x95: {  	s2 =	sld [smem:$0x3FFD];
	_ =	sdelay $0x3  }
0x96: {  	_ =	strace s2  }
0x97: {  	_ =	strace $0x8FFFFFFF  }
0x98: {  	s18 =	sld [smem:$0x3FDB];
	_ =	sdelay $0x1  }
0x99: {  	s19 =	simm.s32 $_scs_section_size  }
0x9a: {  	s4 =	simm.s32 $_size__tile_overlayer_lowered;
	s5 =	simm.s32 $_tile_overlayer_lowered  }
0x9b: {  	s22 =	simm.s32 $0x1BFF;
	s21 =	sshll.u32 s5, $0x1;
	s2 =	sadd.s32 s19, s18  }
0x9c: {  	s6 =	simm.s32 $0x0;
	s20 =	sshll.u32 s4, $0x1;
	s4 =	sadd.s32 s21, s2  }
0x9d: {  	[timem:s6], [sflag:s22] =	dma.local [hbm:s4], s20  }
0x9e: {  	_ =	swait.ge [sflag:s22], s20  }
0x9f: {  	s3 =	ssub.s32 $0x0, s20;
	[sflag:s22] =	ssyncset.done $0x0  }
0xa0: {  	[sflag:s22] =	ssyncadd.s32 s3;
	_ =	sdelay $0x1  }
0xa1: {  	s23 =	simm.s32 $0x1B8B  }
0xa2: {  	_ =	swait.ge [sflag:s23], $0x1  }
0xa3: {  	[sflag:s23] =	ssyncset.done $0x0  }
0xa4: {  	s25 =	simm.s32 $0x1B8E;
	s24 =	sld [smem:$0x3FFE];
	[sflag:s23] =	ssyncadd.s32 $0xFFFFFFFF  }
0xa5: {  	s26 =	simm.s32 $execute0_lowered;
	[smem:$0x3FD2] =	sst s25  }
0xa6: {  	s4 =	sshll.u32 s26, $0x1;
	_ =	strace $0x80000049;
	[dreg:$0x1] =	wrdreg $0xFFFFFFFF  }
0xa7: {  	s28 =	simm.s32 $_size_execute0_lowered;
	s2 =	sadd.s32 s2, s4;
	[dreg:$0x0] =	wrdreg $0x0  }
0xa8: {  	s4 =	sshll.u32 s28, $0x1;
	[dreg:$0x2] =	wrdreg s2  }
0xa9: {  	[dreg:$0x3] =	wrdreg s4  }
0xaa: {  	[dreg:$0x4] =	wrdreg $0xC0  }
0xab: {  	_ =	task [dreg:s6], $0x5FFFF  }
0xac: {  	[dreg:$0x1] =	wrdreg $0xFFFFFFFF  }
0xad: {  	[dreg:$0x0] =	wrdreg $0x60  }
0xae: {  	[dreg:$0x2] =	wrdreg s24  }
0xaf: {  	[dreg:$0x3] =	wrdreg $0x98000  }
0xb0: {  	[dreg:$0x4] =	wrdreg $0x9  }
0xb1: {  	_ =	task.clear_ibuf [dreg:s6], $0x5FFFF;
	_ =	strace $0x90000049  }
0xb2: {  	s29 =	simm.s32 $0x9;
	_ =	strace $0x8000004B  }
0xb3: {  	_ =	swait.ge [sflag:s29], $0x1  }
0xb4: {  	[sflag:s29] =	ssyncadd.s32 $0xFFFFFFFF  }
0xb5: {  	_ =	strace $0x9000004B  }
0xb6: {  	_ =	sfence  }
0xb7: {  	s30 =	sld [smem:$0x0];
	_ =	sdelay $0x2  }
0xb8: {  	s31 =	sshll.u32 s1, $0xD;
	s1 =	sshrl.u32 s1, $0x2  }
0xb9: {  	s3 =	sand.u32 $0x4000, s31;
	s1 =	sadd.s32 s1, s30  }
0xba: {  	s0 =	sor.u32 s3, s0;
	s1 =	sshll.u32 s1, $0x11  }
0xbb: {  	s0 =	sor.u32 s1, s0  }
0xbc: {  	s0 =	sadd.s32 $0x8F2B, s0  }
0xbd: {  	[sflag:s0] =	ssyncadd.remote.s32 $0x1  }
0xbe: {  	_ =	sfence.sel $0xFFFF  }
0xbf: {  	[dreg:$0x0] =	wrdreg $0xFFFFFFFF;
	(pc) =	sbr.abs _section_cstart, $3  }
0xc0: {  	[dreg:$0x1] =	wrdreg $0xFFFFFFFF  }
0xc1: {  	_ =	task.clear_ibuf [dreg:s6], $0x2FFFF;
	_ =	strace $0x9FFFFFFF  }
0xc2: {  	(tm) =	ssettm $0x7FFFFFFF  }
0xc3: {  	_ =	shalt  }
tec
execute0_lowered:
.L_overlay_start_1:
0x0: {  	(tag) =	ssettag $0x1  }
0x1: {  	s5 =	rddreg [dreg:$0x0]  }
0x2: {  	s1 =	rddreg [dreg:$0x1];
	s2 =	srdreg.scid  }
0x3: {  	s0 =	rddreg [dreg:$0x2];
	s3 =	simm.s32 $0x0;
	s11 =	simm.s32 $0x1  }
0x4: {  	s12 =	simm.s32 $0x2800;
	s4 =	sand.u32 $0x1, s2;
	s2 =	stileid.u32  }
0x5: {  	s13 =	simm.s32 $0x80;
	[smem:$0x7FF] =	sst s3;
	s6 =	smul.u32 $0x140000, s4  }
0x6: {  	s14 =	simm.s32 $0x5000;
	s7 =	smul.u32 $0x14000, s2;
	_ =	strace $0x8000004A  }
0x7: {  	s8 =	sshll.u32 s4, $0x4;
	s29 =	smul.u32 $0x50000, s2;
	s9 =	ssub.s32 $0x2, s4  }
0x8: {  	s4 =	sadd.s32 $0xA000, s5;
	s15 =	sshll.u32 s2, $0x6;
	s28 =	sor.u32 s2, s8  }
0x9: {  	s30 =	sshrl.u32 s9, $0x1;
	s6 =	sadd.s32 s7, s6;
	s7 =	smul.u32 $0x500, s28  }
0xa: {  	s15 =	sor.u32 $0x1C01, s15;
	s9 =	ssub.s32 s9, s30;
	s6 =	sshrl.u32 s6, $0x3  }
0xb: {  	s31 =	sshrl.u32 s29, $0x2;
	s10 =	sadd.s32 s6, s5;
	s5 =	sadd.s32 s5, s7  }
0xc: {  	s9 =	smax.u32 s9, $0x1;
	s6 =	sadd.s32 s31, s1;
	s7 =	sadd.s32 $0x5AC00, s5  }
0xd: {  	v0 =	vimm.f32 $0.0e+00;
	s8 =	sadd.s32 $0x64C00, s10;
	s10 =	simm.s32 $0x9000;
	s16 =	sshrl.u32 s6, $0x3  }
.LBB2_1:
0xe: {  	s17 =	simm.s32 $0x0;
	s18 =	simm.s32 $0x200  }
.LBB2_2:
0xf: {  	p0 =	sne.s32 s18, $0x1E00;
	[tilespmem:s17+$0x9070] =	vst v0  }
0x10: {  	[tilespmem:s17+$0x9000] =	vst v0  }
0x11: {  	[tilespmem:s17+$0x9010] =	vst v0  }
.Ltmp0:
0x12: {  	[tilespmem:s17+$0x9020] =	vst v0;
	(pc) =	sbr.rel @p0 .LBB2_2-.Ltmp0, $4  }
0x13: {  	[tilespmem:s17+$0x9030] =	vst v0  }
0x14: {  	[tilespmem:s17+$0x9040] =	vst v0  }
0x15: {  	[tilespmem:s17+$0x9050] =	vst v0  }
0x16: {  	[tilespmem:s17+$0x9060] =	vst v0;
	s17 =	sshra.s32 s18, $0x2;
	s18 =	sadd.s32 $0x200, s18  }
0x17: {  	[tilespmem:s17+$0x9070] =	vst v0  }
0x18: {  	[tilespmem:s17+$0x9000] =	vst v0  }
0x19: {  	[tilespmem:s17+$0x9010] =	vst v0  }
0x1a: {  	[tilespmem:s17+$0x9020] =	vst v0  }
0x1b: {  	[tilespmem:s17+$0x9030] =	vst v0  }
0x1c: {  	[tilespmem:s17+$0x9040] =	vst v0  }
0x1d: {  	[tilespmem:s17+$0x9050] =	vst v0  }
0x1e: {  	[tilespmem:s17+$0x9060] =	vst v0;
	s31 =	sadd.s32 $0x0, s6  }
0x1f: {  	[spmem:s31] =	stream.linear.scatter [tilespmem:s10], [sflag:$0x1], $0x800, $0x38;
	[tilespmem:$0x1D800] =	vst v63  }
0x20: {  	s17 =	simm.s32 $0x2000;
	_ =	swait.ge [sflag:s11], $0x800  }
.LBB2_4:
0x21: {  	s18 =	sshra.s32 s17, $0x2;
	[sflag:s11] =	ssyncset.done $0x0;
	p0 =	sne.s32 s17, $0x4E000  }
.Ltmp1:
0x22: {  	s18 =	sadd.s32 s18, s6;
	[sflag:s11] =	ssyncadd.s32 $0xFFFFF800;
	(pc) =	sbr.rel @p0 .LBB2_4-.Ltmp1, $3  }
0x23: {  	[spmem:s18] =	stream.linear.scatter [tilespmem:s10], [sflag:$0x1], $0x800, $0x38;
	[tilespmem:$0x1D800] =	vst v63  }
0x24: {  	s17 =	sadd.s32 $0x2000, s17;
	_ =	sdelay $0x1  }
0x25: {  	_ =	swait.ge [sflag:s11], $0x800  }
0x26: {  	[sflag:s11] =	ssyncset.done $0x0  }
0x27: {  	[sflag:s11] =	ssyncadd.s32 $0xFFFFF800  }
0x28: {  	s17 =	simm.s32 $0x0;
	[bflag:$0x0] =	sbarrier.arrive $0xFFFF  }
0x29: {  	[tilespmem:s17], [sflag:$0x1] =	stream.linear.gather [hbm4b:s7+s17], $0x2780, $0x38;
	[tilespmem:$0x1D800] =	vst v63  }
0x2a: {  	_ =	swait.ge [sflag:s11], $0x2780  }
0x2b: {  	[sflag:s11] =	ssyncset.done $0x0  }
0x2c: {  	[sflag:s11] =	ssyncadd.s32 $0xFFFFD880  }
0x2d: {  	[tilespmem:s12], [sflag:$0x1] =	stream.linear.gather [hbm4b:s5+s17], $0x2780, $0x38;
	[tilespmem:$0x1D800] =	vst v63  }
0x2e: {  	_ =	swait.ge [sflag:s11], $0x2780  }
0x2f: {  	[sflag:s11] =	ssyncset.done $0x0  }
0x30: {  	s30 =	simm.s32 $0x0;
	[sflag:s11] =	ssyncadd.s32 $0xFFFFD880  }
0x31: {  	[tilespmem:s14], [sflag:$0x1] =	stream.indirect.gather [hbm4b:s4+s13], $0x80, s30, s13, $0xb8;
	[tilespmem:$0x1D800] =	vst v63  }
0x32: {  	_ =	swait.ge [sflag:s11], $0x4000  }
0x33: {  	[sflag:s11] =	ssyncset.done $0x0  }
0x34: {  	s31 =	simm.s32 $0x2800;
	[sflag:s11] =	ssyncadd.s32 $0xFFFFC000  }
0x35: {  	[spmem:s1] =	stream.indirect.scatter.add.f32 [tilespmem:s14], [sflag:$0x1], $0x80, s31, s13, $0xb8;
	[tilespmem:$0x1D800] =	vst v63  }
0x36: {  	_ =	swait.ge [sflag:s11], $0x4000  }
0x37: {  	s18 =	simm.s32 $0x400;
	s17 =	simm.s32 $0x200;
	[sflag:s11] =	ssyncset.done $0x0  }
.LBB2_6:
0x38: {  	s19 =	sshra.s32 s17, $0x2  }
0x39: {  	[sflag:s11] =	ssyncadd.s32 $0xFFFFC000;
	s17 =	smov.u32 s18;
	s20 =	sadd.s32 $0x200, s18  }
0x3a: {  	[tilespmem:s14], [sflag:$0x1] =	stream.indirect.gather [hbm4b:s4+s13], $0x80, s19, s13, $0xb8;
	[tilespmem:$0x1D800] =	vst v63  }
0x3b: {  	p0 =	sne.s32 s18, $0x9C00;
	_ =	swait.ge [sflag:s11], $0x4000  }
.Ltmp2:
0x3c: {  	[sflag:s11] =	ssyncset.done $0x0;
	(pc) =	sbr.rel @p0 .LBB2_6-.Ltmp2, $4  }
0x3d: {  	s18 =	sadd.s32 $0x2800, s19;
	[sflag:s11] =	ssyncadd.s32 $0xFFFFC000  }
0x3e: {  	[spmem:s1] =	stream.indirect.scatter.add.f32 [tilespmem:s14], [sflag:$0x1], $0x80, s18, s13, $0xb8;
	[tilespmem:$0x1D800] =	vst v63  }
0x3f: {  	_ =	swait.ge [sflag:s11], $0x4000  }
0x40: {  	s18 =	smov.u32 s20;
	[sflag:s11] =	ssyncset.done $0x0  }
0x41: {  	s17 =	sshra.s32 s17, $0x2;
	[sflag:s11] =	ssyncadd.s32 $0xFFFFC000  }
0x42: {  	[tilespmem:s14], [sflag:$0x1] =	stream.indirect.gather [hbm4b:s4+s13], $0x80, s17, s13, $0xb8;
	[tilespmem:$0x1D800] =	vst v63  }
0x43: {  	_ =	swait.ge [sflag:s11], $0x4000  }
0x44: {  	[sflag:s11] =	ssyncset.done $0x0  }
0x45: {  	s17 =	sadd.s32 $0x2800, s17;
	[sflag:s11] =	ssyncadd.s32 $0xFFFFC000  }
0x46: {  	[spmem:s1] =	stream.indirect.scatter.add.f32 [tilespmem:s14], [sflag:$0x1], $0x80, s17, s13, $0xb8;
	[tilespmem:$0x1D800] =	vst v63  }
0x47: {  	_ =	swait.ge [sflag:s11], $0x4000  }
0x48: {  	s3 =	sadd.s32 $0x1, s3;
	[sflag:s11] =	ssyncset.done $0x0  }
0x49: {  	p0 =	sne.s32 s3, s9;
	[sflag:s11] =	ssyncadd.s32 $0xFFFFC000  }
.Ltmp3:
0x4a: {  	[bflag:$0x0] =	sbarrier.arrive $0xFFFF;
	(pc) =	sbr.rel @p0 .LBB2_1-.Ltmp3, $4  }
0x4b: {  	[hbm:s8], [sflag:s15] =	dma.local [spmem:s16], $0x2800  }
0x4c: {  	_ =	swait.ge [sflag:s11], $0x2800  }
0x4d: {  	[sflag:s11] =	ssyncset.done $0x0  }
0x4e: {  	[sflag:s11] =	ssyncadd.s32 $0xFFFFD800  }
0x4f: {  	_ =	sfence.sel $0x180000  }
0x50: {  	[bflag:$0x0] =	sbarrier.arrive $0xFFFF  }
0x51: {  	p0 =	sne.s32 s2, $0x0;
	_ =	strace $0x9000004A  }
0x52: {  	s0 =	sadd.s32 @!p0 $0x100000, s0;
	[bflag:$0x2] =	sbarrier.arrive $0xFFFF  }
0x53: {  	[sflag:s0] =	ssyncadd.tile.s32 @!p0 $0x1;
	_ =	shalt  }
.Lfunc_end2:
_tile_overlayer_lowered:
.L_overlay_start_2:
0x54: {  	(tag) =	ssettag $0x2  }
0x55: {  	s0 =	rddreg [dreg:$0x0];
	s2 =	stileid.u32  }
0x56: {  	s1 =	rddreg [dreg:$0x1];
	p0 =	sne.s32 s2, $0x0  }
0x57: {  	s3 =	rddreg [dreg:$0x2];
	[bflag:$0x3] =	sbarrier.arrive $0xFFFF;
	s2 =	simm.s32 @!p0 $0x1C01  }
0x58: {  	[timem:s3], [sflag:s2] =	dma.local @!p0 [hbm:s0], s1  }
0x59: {  	s0 =	simm.s32 @!p0 $0x1  }
0x5a: {  	_ =	swait.ge @!p0 [sflag:s0], s1  }
0x5b: {  	s1 =	ssub.s32 @!p0 $0x0, s1;
	[sflag:s0] =	ssyncset.done @!p0 $0x0  }
0x5c: {  	[sflag:s0] =	ssyncadd.s32 @!p0 s1  }
0x5d: {  	[bflag:$0x3] =	sbarrier.arrive $0xFFFF  }
0x5e: {  	_ =	shalt  }

</sc_bundles>
